<compile_context>
chip_gen: v7x
topology: tpu7x:2x2x1
jax: 0.10.2.dev20260603
libtpu: 0.0.44.dev20260713+nightly
codegen_flags: <defaults>
</compile_context>

<pallas_src>
import functools

import jax
import jax.numpy as jnp
from jax import lax
from jax.experimental import pallas as pl
from jax.experimental.pallas import tpu as pltpu
from jax.experimental.pallas import tpu_sc as plsc

_N_EMBED = 8192
_DIM = 32
_M = 1024
_CK = 4096
_NCHUNK = _N_EMBED // _CK
_BETA = 0.25
_EPS = 1e-5


def _stage_body(z_ref, e_ref, z2_ref, e2_ref,
                idx_ref, loss_ref, counts_ref, sq_ref):
    pid = pl.program_id(0)
    nsteps = pl.num_programs(0)

    @pl.when(pid == 0)
    def _init():
        counts_ref[...] = jnp.zeros_like(counts_ref)
        sq_ref[0] = 0.0

    zt = z_ref[...]
    z2 = z2_ref[...]

    def dbody(c, carry):
        bestv, besti = carry
        off = pl.multiple_of(c * _CK, _CK)
        ech = e_ref[pl.ds(off, _CK), :]
        e2c = e2_ref[pl.ds(off, _CK)]
        mm = lax.dot_general(zt, ech, (((1,), (1,)), ((), ())),
                             preferred_element_type=jnp.float32)
        d = (z2 + e2c[None, :]) - 2.0 * mm
        lv = jnp.min(d, axis=1)
        iota = lax.broadcasted_iota(jnp.int32, (_M, _CK), 1)
        li = jnp.min(jnp.where(d == lv[:, None], iota, _CK), axis=1) + off
        upd = lv < bestv
        return jnp.where(upd, lv, bestv), jnp.where(upd, li, besti)

    bestv0 = jnp.full((_M,), jnp.inf, dtype=jnp.float32)
    besti0 = jnp.zeros((_M,), dtype=jnp.int32)
    bestv, idx = lax.fori_loop(0, _NCHUNK, dbody, (bestv0, besti0))
    idx_ref[...] = idx
    sq_ref[0] += jnp.sum(jnp.maximum(bestv, 0.0))

    def cbody(c, _):
        off = pl.multiple_of(c * _CK, _CK)
        iota = lax.broadcasted_iota(jnp.int32, (_M, _CK), 1) + off
        oh = (idx[:, None] == iota).astype(jnp.float32)
        counts_ref[pl.ds(c, 1), :] += jnp.sum(oh, axis=0)[None, :]
        return 0

    lax.fori_loop(0, _NCHUNK, cbody, 0)

    @pl.when(pid == nsteps - 1)
    def _fin():
        numel = jnp.asarray(nsteps * _M * _DIM, dtype=jnp.float32)
        counts = counts_ref[...]
        tot = jnp.sum(counts)
        probs = (counts + _EPS) / (tot + _EPS * _N_EMBED)
        ent = -jnp.sum(probs * jnp.log(probs + _EPS))
        usage = jnp.log(jnp.float32(_N_EMBED)) - ent
        loss = _BETA * sq_ref[0] / numel + 0.01 * usage
        loss_ref[...] = jnp.broadcast_to(loss, (1, 1))


def _quantize_stage(zf, emb, z2, e2):
    n_pix = zf.shape[0]
    grid = n_pix // _M
    return pl.pallas_call(
        _stage_body,
        grid=(grid,),
        in_specs=[
            pl.BlockSpec((_M, _DIM), lambda i: (i, 0)),
            pl.BlockSpec((_N_EMBED, _DIM), lambda i: (0, 0)),
            pl.BlockSpec((_M, 1), lambda i: (i, 0)),
            pl.BlockSpec((_N_EMBED,), lambda i: (0,)),
        ],
        out_specs=[
            pl.BlockSpec((_M,), lambda i: (i,)),
            pl.BlockSpec((1, 1), lambda i: (0, 0)),
        ],
        out_shape=[
            jax.ShapeDtypeStruct((n_pix,), jnp.int32),
            jax.ShapeDtypeStruct((1, 1), jnp.float32),
        ],
        scratch_shapes=[
            pltpu.VMEM((_NCHUNK, _CK), jnp.float32),
            pltpu.SMEM((1,), jnp.float32),
        ],
    )(zf, emb, z2, e2)


_GW = 128


def _sc_gather(table128, idx):
    n = idx.shape[0]
    info = plsc.get_sparse_core_info()
    nw = info.num_cores * info.num_subcores
    b_per_w = n // nw
    nchunk = 2
    bc = b_per_w // nchunk
    mesh = plsc.VectorSubcoreMesh(core_axis_name="c", subcore_axis_name="s")

    @functools.partial(
        pl.kernel, mesh=mesh,
        out_type=jax.ShapeDtypeStruct((n, _GW), jnp.float32),
        scratch_types=[
            pltpu.VMEM((bc,), jnp.int32),
            pltpu.VMEM((bc, _GW), jnp.float32),
            pltpu.SemaphoreType.DMA,
        ],
    )
    def k(table_hbm, idx_hbm, out_hbm, idx_v, rows_v, sem):
        wid = lax.axis_index("s") * info.num_cores + lax.axis_index("c")
        for j in range(nchunk):
            base = wid * b_per_w + j * bc
            pltpu.sync_copy(idx_hbm.at[pl.ds(base, bc)], idx_v)
            pltpu.async_copy(table_hbm.at[idx_v], rows_v, sem).wait()
            pltpu.sync_copy(rows_v, out_hbm.at[pl.ds(base, bc)])

    return k(table128, idx)


def kernel(z, emb0, emb1):
    B, C, H, W = z.shape
    assert B == 1 and C == _DIM
    h, w = H // 4, W // 4
    zf = z.reshape(C, H * W).T

    e2_0 = jnp.sum(emb0 ** 2, axis=1)
    e2_1 = jnp.sum(emb1 ** 2, axis=1)
    pad = ((0, 0), (0, _GW - _DIM))
    emb0p = jnp.pad(emb0, pad)
    emb1p = jnp.pad(emb1, pad)

    z2_0 = jnp.sum(zf ** 2, axis=1, keepdims=True)
    i0, loss0 = _quantize_stage(zf, emb0, z2_0, e2_0)
    zq0 = _sc_gather(emb0p, i0)[:, :_DIM]

    resid = zf - zq0
    z2_1 = jnp.sum(resid ** 2, axis=1, keepdims=True)
    i1, loss1 = _quantize_stage(resid, emb1, z2_1, e2_1)
    zq1 = _sc_gather(emb1p, i1)[:, :_DIM]

    z_q = (zq0 + zq1).T.reshape(B, C, H, W)

    def to_mei(ix):
        return ix.reshape(h, 4, w, 4).transpose(0, 2, 1, 3).reshape(1, h, w, 16)

    mei = jnp.stack([to_mei(i0), to_mei(i1)], axis=-1)
    return z_q, loss0[0, 0] + loss1[0, 0], mei

# --- scband reference (transcript-rebuilt; emitter-appended) ---
"""Pipeline reference for scband-residual-vector-quantizer-83846351553222 (READ-ONLY COPY).

The authoritative reference and input builder live on the scoring server;
editing this copy changes nothing except your own understanding.
"""

import jax, jax.numpy as jnp
import numpy as np

N_EMBED = 8192
EMBED_DIM = 32
N_CODEBOOKS = 2
PATCH = 4
BETA = 0.25
EPS = 1e-05


def setup_inputs(seed: int = 0):
    key = jax.random.key(seed)
    k1, k2, k3 = jax.random.split(key, 3)
    z = jax.random.normal(k1, (1, 32, 224, 224), dtype=jnp.float32)
    emb0 = jax.random.normal(k2, (N_EMBED, EMBED_DIM), dtype=jnp.float32)
    emb1 = jax.random.normal(k3, (N_EMBED, EMBED_DIM), dtype=jnp.float32)
    return {"z": z, "emb0": emb0, "emb1": emb1}


def _usage_loss(indices, n_embed, eps=EPS):
    counts = jnp.bincount(indices.reshape(-1), minlength=n_embed, length=n_embed).astype(jnp.float32)
    probs = (counts + eps) / (counts.sum() + eps * n_embed)
    entropy = -jnp.sum(probs * jnp.log(probs + eps))
    max_entropy = jnp.log(jnp.float32(n_embed))
    return max_entropy - entropy


def _ema_quantize(zp, embedding):
    # zp: [N, C, ph, pw] ; eval-mode semantics (EMA buffer updates are side effects
    # that do not affect forward outputs within a single call)
    Nn, C, ph, pw = zp.shape
    zt = jnp.transpose(zp, (0, 2, 3, 1))  # n ph pw c
    z_flat = zt.reshape(-1, C)
    d = (jnp.sum(z_flat ** 2, axis=1, keepdims=True)
         + jnp.sum(embedding ** 2, axis=1)
         - 2.0 * (z_flat @ embedding.T))
    indices = jnp.argmin(d, axis=1)
    z_q = jnp.take(embedding, indices, axis=0).reshape(Nn, ph, pw, C)
    z_q = jnp.transpose(z_q, (0, 3, 1, 2))  # n c ph pw
    loss = BETA * jnp.mean((jax.lax.stop_gradient(z_q) - zp) ** 2)
    z_q_st = zp + jax.lax.stop_gradient(z_q - zp)
    indices = indices.reshape(Nn, ph, pw)
    return z_q_st, loss, indices


def reference(z, emb0, emb1):
    B, C, H, W = z.shape
    ph = pw = PATCH
    h, w = H // ph, W // pw
    # rearrange b c (h ph) (w pw) -> (b h w) c ph pw
    zp = z.reshape(B, C, h, ph, w, pw)
    zp = jnp.transpose(zp, (0, 2, 4, 1, 3, 5)).reshape(B * h * w, C, ph, pw)
    residual = zp
    z_q_patches = jnp.zeros_like(zp)
    losses = []
    all_indices = []
    for emb in (emb0, emb1):
        z_q_i, loss_i, idx_i = _ema_quantize(residual, emb)
        usage_i = _usage_loss(idx_i, N_EMBED)
        loss_i = loss_i + 0.01 * usage_i
        z_q_patches = z_q_patches + z_q_i
        residual = residual - z_q_i
        # residual = residual.detach() + (residual - residual.detach()) == residual
        losses.append(loss_i)
        all_indices.append(idx_i.reshape(idx_i.shape[0], -1))
    loss = jnp.stack(losses).sum()
    # rearrange (b h w) c ph pw -> b c (h ph) (w pw)
    z_q = z_q_patches.reshape(B, h, w, C, ph, pw)
    z_q = jnp.transpose(z_q, (0, 3, 1, 4, 2, 5)).reshape(B, C, H, W)
    mei = jnp.stack(all_indices, axis=-1)  # [(b h w), ph*pw, n_codebooks]
    mei = mei.reshape(B, h, w, ph * pw, N_CODEBOOKS)
    return (z_q, loss, mei)

if __name__ == "__main__":
    import jax
    _d = setup_inputs()
    print(jax.jit(kernel)(*tuple(_d.values())))

</pallas_src>

<mosaic_0001>
#map = affine_map<(d0, d1) -> (0, 0)>
#map1 = affine_map<(d0, d1) -> (0)>
module attributes {stable_mosaic.version = 14 : i64} {
  func.func @k(%arg0: i32, %arg1: i32, %arg2: memref<8192x128xf32, #tpu.memory_space<hbm>>, %arg3: memref<50176xi32, #tpu.memory_space<hbm>>, %arg4: memref<50176x128xf32, #tpu.memory_space<hbm>>, %arg5: memref<784xi32, #tpu.memory_space<vmem>>, %arg6: memref<784x128xf32, #tpu.memory_space<vmem>>, %arg7: memref<!tpu.dma_semaphore, #tpu.memory_space<semaphore_mem>>) attributes {dimension_semantics = [#tpu.dimension_semantics<core_parallel>, #tpu.dimension_semantics<subcore_parallel>], iteration_bounds = array<i64: 2, 16>, scalar_prefetch = 0 : i64, scratch_operands = 3 : i64, tpu.core_type = #tpu.core_type<sc_vector_subcore>, window_params = [{transform_indices = #map}, {transform_indices = #map1}, {transform_indices = #map}]} {
    %mul3A = arith.constant 2 : i32
    %mul3A_0 = arith.muli %arg1, %mul3A : i32
    %add3A = arith.addi %mul3A_0, %arg0 : i32
    %mul3A_1 = arith.constant 1568 : i32
    %mul3A_2 = arith.muli %add3A, %mul3A_1 : i32
    %add3A_3 = arith.constant 0 : i32
    %add3A_4 = arith.addi %mul3A_2, %add3A_3 : i32
    "tpu.region"() ({
      %run_scoped3A = tpu.sem_alloc : memref<!tpu.dma_semaphore, #tpu.memory_space<semaphore_mem>>
      %dma_start3A_19 = tpu.memref_slice %arg3[%add3A_4] : memref<50176xi32, #tpu.memory_space<hbm>> -> memref<784xi32, #tpu.memory_space<hbm>>
      %dma_start3A_20 = tpu.memref_slice %arg3[%add3A_4] : memref<50176xi32, #tpu.memory_space<hbm>> -> memref<784xi32, #tpu.memory_space<hbm>>
      tpu.enqueue_dma source(%dma_start3A_20 : memref<784xi32, #tpu.memory_space<hbm>>) target(%arg5 : memref<784xi32, #tpu.memory_space<vmem>>) target_semaphore(%run_scoped3A : memref<!tpu.dma_semaphore, #tpu.memory_space<semaphore_mem>>)
      %dma_wait3A_21 = tpu.memref_slice %arg3[%add3A_4] : memref<50176xi32, #tpu.memory_space<hbm>> -> memref<784xi32, #tpu.memory_space<hbm>>
      %dma_wait3A_22 = tpu.memref_slice %arg3[%add3A_4] : memref<50176xi32, #tpu.memory_space<hbm>> -> memref<784xi32, #tpu.memory_space<hbm>>
      tpu.wait_dma2 semaphore(%run_scoped3A : memref<!tpu.dma_semaphore, #tpu.memory_space<semaphore_mem>>) src(%dma_wait3A_22 : memref<784xi32, #tpu.memory_space<hbm>>) dst(%arg5 : memref<784xi32, #tpu.memory_space<vmem>>)
      tpu.yield
    }) : () -> ()
    %dma_start3A = arith.constant 0 : i32
    %dma_start3A_5 = arith.constant 0 : i32
    %dma_start3A_6 = tpu.memref_slice %arg2[%dma_start3A, %dma_start3A_5] : memref<8192x128xf32, #tpu.memory_space<hbm>> -> memref<8192x128xf32, #tpu.memory_space<hbm>>
    tpu.enqueue_indirect_dma source(%dma_start3A_6 : memref<8192x128xf32, #tpu.memory_space<hbm>>) target(%arg6 : memref<784x128xf32, #tpu.memory_space<vmem>>) offsets(%arg5 : memref<784xi32, #tpu.memory_space<vmem>>) semaphore(%arg7 : memref<!tpu.dma_semaphore, #tpu.memory_space<semaphore_mem>>)
    %dma_wait3A = arith.constant 0 : i32
    %dma_wait3A_7 = arith.constant 0 : i32
    %dma_wait3A_8 = tpu.memref_slice %arg2[%dma_wait3A, %dma_wait3A_7] : memref<8192x128xf32, #tpu.memory_space<hbm>> -> memref<8192x128xf32, #tpu.memory_space<hbm>>
    tpu.wait_indirect_dma semaphore(%arg7 : memref<!tpu.dma_semaphore, #tpu.memory_space<semaphore_mem>>) src(%dma_wait3A_8 : memref<8192x128xf32, #tpu.memory_space<hbm>>) dst(%arg6 : memref<784x128xf32, #tpu.memory_space<vmem>>)
    "tpu.region"() ({
      %run_scoped3A = tpu.sem_alloc : memref<!tpu.dma_semaphore, #tpu.memory_space<semaphore_mem>>
      %dma_start3A_19 = arith.constant 0 : i32
      %dma_start3A_20 = tpu.memref_slice %arg4[%add3A_4, %dma_start3A_19] : memref<50176x128xf32, #tpu.memory_space<hbm>> -> memref<784x128xf32, #tpu.memory_space<hbm>>
      %dma_start3A_21 = arith.constant 0 : i32
      %dma_start3A_22 = tpu.memref_slice %arg4[%add3A_4, %dma_start3A_21] : memref<50176x128xf32, #tpu.memory_space<hbm>> -> memref<784x128xf32, #tpu.memory_space<hbm>>
      tpu.enqueue_dma source(%arg6 : memref<784x128xf32, #tpu.memory_space<vmem>>) target(%dma_start3A_22 : memref<784x128xf32, #tpu.memory_space<hbm>>) target_semaphore(%run_scoped3A : memref<!tpu.dma_semaphore, #tpu.memory_space<semaphore_mem>>)
      %dma_wait3A_23 = arith.constant 0 : i32
      %dma_wait3A_24 = tpu.memref_slice %arg4[%add3A_4, %dma_wait3A_23] : memref<50176x128xf32, #tpu.memory_space<hbm>> -> memref<784x128xf32, #tpu.memory_space<hbm>>
      %dma_wait3A_25 = arith.constant 0 : i32
      %dma_wait3A_26 = tpu.memref_slice %arg4[%add3A_4, %dma_wait3A_25] : memref<50176x128xf32, #tpu.memory_space<hbm>> -> memref<784x128xf32, #tpu.memory_space<hbm>>
      tpu.wait_dma2 semaphore(%run_scoped3A : memref<!tpu.dma_semaphore, #tpu.memory_space<semaphore_mem>>) src(%arg6 : memref<784x128xf32, #tpu.memory_space<vmem>>) dst(%dma_wait3A_26 : memref<784x128xf32, #tpu.memory_space<hbm>>)
      tpu.yield
    }) : () -> ()
    %mul3A_9 = arith.constant 1568 : i32
    %mul3A_10 = arith.muli %add3A, %mul3A_9 : i32
    %add3A_11 = arith.constant 784 : i32
    %add3A_12 = arith.addi %mul3A_10, %add3A_11 : i32
    "tpu.region"() ({
      %run_scoped3A = tpu.sem_alloc : memref<!tpu.dma_semaphore, #tpu.memory_space<semaphore_mem>>
      %dma_start3A_19 = tpu.memref_slice %arg3[%add3A_12] : memref<50176xi32, #tpu.memory_space<hbm>> -> memref<784xi32, #tpu.memory_space<hbm>>
      %dma_start3A_20 = tpu.memref_slice %arg3[%add3A_12] : memref<50176xi32, #tpu.memory_space<hbm>> -> memref<784xi32, #tpu.memory_space<hbm>>
      tpu.enqueue_dma source(%dma_start3A_20 : memref<784xi32, #tpu.memory_space<hbm>>) target(%arg5 : memref<784xi32, #tpu.memory_space<vmem>>) target_semaphore(%run_scoped3A : memref<!tpu.dma_semaphore, #tpu.memory_space<semaphore_mem>>)
      %dma_wait3A_21 = tpu.memref_slice %arg3[%add3A_12] : memref<50176xi32, #tpu.memory_space<hbm>> -> memref<784xi32, #tpu.memory_space<hbm>>
      %dma_wait3A_22 = tpu.memref_slice %arg3[%add3A_12] : memref<50176xi32, #tpu.memory_space<hbm>> -> memref<784xi32, #tpu.memory_space<hbm>>
      tpu.wait_dma2 semaphore(%run_scoped3A : memref<!tpu.dma_semaphore, #tpu.memory_space<semaphore_mem>>) src(%dma_wait3A_22 : memref<784xi32, #tpu.memory_space<hbm>>) dst(%arg5 : memref<784xi32, #tpu.memory_space<vmem>>)
      tpu.yield
    }) : () -> ()
    %dma_start3A_13 = arith.constant 0 : i32
    %dma_start3A_14 = arith.constant 0 : i32
    %dma_start3A_15 = tpu.memref_slice %arg2[%dma_start3A_13, %dma_start3A_14] : memref<8192x128xf32, #tpu.memory_space<hbm>> -> memref<8192x128xf32, #tpu.memory_space<hbm>>
    tpu.enqueue_indirect_dma source(%dma_start3A_15 : memref<8192x128xf32, #tpu.memory_space<hbm>>) target(%arg6 : memref<784x128xf32, #tpu.memory_space<vmem>>) offsets(%arg5 : memref<784xi32, #tpu.memory_space<vmem>>) semaphore(%arg7 : memref<!tpu.dma_semaphore, #tpu.memory_space<semaphore_mem>>)
    %dma_wait3A_16 = arith.constant 0 : i32
    %dma_wait3A_17 = arith.constant 0 : i32
    %dma_wait3A_18 = tpu.memref_slice %arg2[%dma_wait3A_16, %dma_wait3A_17] : memref<8192x128xf32, #tpu.memory_space<hbm>> -> memref<8192x128xf32, #tpu.memory_space<hbm>>
    tpu.wait_indirect_dma semaphore(%arg7 : memref<!tpu.dma_semaphore, #tpu.memory_space<semaphore_mem>>) src(%dma_wait3A_18 : memref<8192x128xf32, #tpu.memory_space<hbm>>) dst(%arg6 : memref<784x128xf32, #tpu.memory_space<vmem>>)
    "tpu.region"() ({
      %run_scoped3A = tpu.sem_alloc : memref<!tpu.dma_semaphore, #tpu.memory_space<semaphore_mem>>
      %dma_start3A_19 = arith.constant 0 : i32
      %dma_start3A_20 = tpu.memref_slice %arg4[%add3A_12, %dma_start3A_19] : memref<50176x128xf32, #tpu.memory_space<hbm>> -> memref<784x128xf32, #tpu.memory_space<hbm>>
      %dma_start3A_21 = arith.constant 0 : i32
      %dma_start3A_22 = tpu.memref_slice %arg4[%add3A_12, %dma_start3A_21] : memref<50176x128xf32, #tpu.memory_space<hbm>> -> memref<784x128xf32, #tpu.memory_space<hbm>>
      tpu.enqueue_dma source(%arg6 : memref<784x128xf32, #tpu.memory_space<vmem>>) target(%dma_start3A_22 : memref<784x128xf32, #tpu.memory_space<hbm>>) target_semaphore(%run_scoped3A : memref<!tpu.dma_semaphore, #tpu.memory_space<semaphore_mem>>)
      %dma_wait3A_23 = arith.constant 0 : i32
      %dma_wait3A_24 = tpu.memref_slice %arg4[%add3A_12, %dma_wait3A_23] : memref<50176x128xf32, #tpu.memory_space<hbm>> -> memref<784x128xf32, #tpu.memory_space<hbm>>
      %dma_wait3A_25 = arith.constant 0 : i32
      %dma_wait3A_26 = tpu.memref_slice %arg4[%add3A_12, %dma_wait3A_25] : memref<50176x128xf32, #tpu.memory_space<hbm>> -> memref<784x128xf32, #tpu.memory_space<hbm>>
      tpu.wait_dma2 semaphore(%run_scoped3A : memref<!tpu.dma_semaphore, #tpu.memory_space<semaphore_mem>>) src(%arg6 : memref<784x128xf32, #tpu.memory_space<vmem>>) dst(%dma_wait3A_26 : memref<784x128xf32, #tpu.memory_space<hbm>>)
      tpu.yield
    }) : () -> ()
    return
  }
}

#map = affine_map<(d0, d1) -> (0, 0)>
#map1 = affine_map<(d0, d1) -> (0)>
module attributes {stable_mosaic.version = 14 : i64} {
  func.func @k(%arg0: i32, %arg1: i32, %arg2: memref<8192x128xf32, #tpu.memory_space<hbm>>, %arg3: memref<50176xi32, #tpu.memory_space<hbm>>, %arg4: memref<50176x128xf32, #tpu.memory_space<hbm>>, %arg5: memref<784xi32, #tpu.memory_space<vmem>>, %arg6: memref<784x128xf32, #tpu.memory_space<vmem>>, %arg7: memref<!tpu.dma_semaphore, #tpu.memory_space<semaphore_mem>>) attributes {dimension_semantics = [#tpu.dimension_semantics<core_parallel>, #tpu.dimension_semantics<subcore_parallel>], iteration_bounds = array<i64: 2, 16>, scalar_prefetch = 0 : i64, scratch_operands = 3 : i64, tpu.core_type = #tpu.core_type<sc_vector_subcore>, window_params = [{transform_indices = #map}, {transform_indices = #map1}, {transform_indices = #map}]} {
    %mul3A = arith.constant 2 : i32
    %mul3A_0 = arith.muli %arg1, %mul3A : i32
    %add3A = arith.addi %mul3A_0, %arg0 : i32
    %mul3A_1 = arith.constant 1568 : i32
    %mul3A_2 = arith.muli %add3A, %mul3A_1 : i32
    %add3A_3 = arith.constant 0 : i32
    %add3A_4 = arith.addi %mul3A_2, %add3A_3 : i32
    "tpu.region"() ({
      %run_scoped3A = tpu.sem_alloc : memref<!tpu.dma_semaphore, #tpu.memory_space<semaphore_mem>>
      %dma_start3A_19 = tpu.memref_slice %arg3[%add3A_4] : memref<50176xi32, #tpu.memory_space<hbm>> -> memref<784xi32, #tpu.memory_space<hbm>>
      %dma_start3A_20 = tpu.memref_slice %arg3[%add3A_4] : memref<50176xi32, #tpu.memory_space<hbm>> -> memref<784xi32, #tpu.memory_space<hbm>>
      tpu.enqueue_dma source(%dma_start3A_20 : memref<784xi32, #tpu.memory_space<hbm>>) target(%arg5 : memref<784xi32, #tpu.memory_space<vmem>>) target_semaphore(%run_scoped3A : memref<!tpu.dma_semaphore, #tpu.memory_space<semaphore_mem>>)
      %dma_wait3A_21 = tpu.memref_slice %arg3[%add3A_4] : memref<50176xi32, #tpu.memory_space<hbm>> -> memref<784xi32, #tpu.memory_space<hbm>>
      %dma_wait3A_22 = tpu.memref_slice %arg3[%add3A_4] : memref<50176xi32, #tpu.memory_space<hbm>> -> memref<784xi32, #tpu.memory_space<hbm>>
      tpu.wait_dma2 semaphore(%run_scoped3A : memref<!tpu.dma_semaphore, #tpu.memory_space<semaphore_mem>>) src(%dma_wait3A_22 : memref<784xi32, #tpu.memory_space<hbm>>) dst(%arg5 : memref<784xi32, #tpu.memory_space<vmem>>)
      tpu.yield
    }) : () -> ()
    %dma_start3A = arith.constant 0 : i32
    %dma_start3A_5 = arith.constant 0 : i32
    %dma_start3A_6 = tpu.memref_slice %arg2[%dma_start3A, %dma_start3A_5] : memref<8192x128xf32, #tpu.memory_space<hbm>> -> memref<8192x128xf32, #tpu.memory_space<hbm>>
    tpu.enqueue_indirect_dma source(%dma_start3A_6 : memref<8192x128xf32, #tpu.memory_space<hbm>>) target(%arg6 : memref<784x128xf32, #tpu.memory_space<vmem>>) offsets(%arg5 : memref<784xi32, #tpu.memory_space<vmem>>) semaphore(%arg7 : memref<!tpu.dma_semaphore, #tpu.memory_space<semaphore_mem>>)
    %dma_wait3A = arith.constant 0 : i32
    %dma_wait3A_7 = arith.constant 0 : i32
    %dma_wait3A_8 = tpu.memref_slice %arg2[%dma_wait3A, %dma_wait3A_7] : memref<8192x128xf32, #tpu.memory_space<hbm>> -> memref<8192x128xf32, #tpu.memory_space<hbm>>
    tpu.wait_indirect_dma semaphore(%arg7 : memref<!tpu.dma_semaphore, #tpu.memory_space<semaphore_mem>>) src(%dma_wait3A_8 : memref<8192x128xf32, #tpu.memory_space<hbm>>) dst(%arg6 : memref<784x128xf32, #tpu.memory_space<vmem>>)
    "tpu.region"() ({
      %run_scoped3A = tpu.sem_alloc : memref<!tpu.dma_semaphore, #tpu.memory_space<semaphore_mem>>
      %dma_start3A_19 = arith.constant 0 : i32
      %dma_start3A_20 = tpu.memref_slice %arg4[%add3A_4, %dma_start3A_19] : memref<50176x128xf32, #tpu.memory_space<hbm>> -> memref<784x128xf32, #tpu.memory_space<hbm>>
      %dma_start3A_21 = arith.constant 0 : i32
      %dma_start3A_22 = tpu.memref_slice %arg4[%add3A_4, %dma_start3A_21] : memref<50176x128xf32, #tpu.memory_space<hbm>> -> memref<784x128xf32, #tpu.memory_space<hbm>>
      tpu.enqueue_dma source(%arg6 : memref<784x128xf32, #tpu.memory_space<vmem>>) target(%dma_start3A_22 : memref<784x128xf32, #tpu.memory_space<hbm>>) target_semaphore(%run_scoped3A : memref<!tpu.dma_semaphore, #tpu.memory_space<semaphore_mem>>)
      %dma_wait3A_23 = arith.constant 0 : i32
      %dma_wait3A_24 = tpu.memref_slice %arg4[%add3A_4, %dma_wait3A_23] : memref<50176x128xf32, #tpu.memory_space<hbm>> -> memref<784x128xf32, #tpu.memory_space<hbm>>
      %dma_wait3A_25 = arith.constant 0 : i32
      %dma_wait3A_26 = tpu.memref_slice %arg4[%add3A_4, %dma_wait3A_25] : memref<50176x128xf32, #tpu.memory_space<hbm>> -> memref<784x128xf32, #tpu.memory_space<hbm>>
      tpu.wait_dma2 semaphore(%run_scoped3A : memref<!tpu.dma_semaphore, #tpu.memory_space<semaphore_mem>>) src(%arg6 : memref<784x128xf32, #tpu.memory_space<vmem>>) dst(%dma_wait3A_26 : memref<784x128xf32, #tpu.memory_space<hbm>>)
      tpu.yield
    }) : () -> ()
    %mul3A_9 = arith.constant 1568 : i32
    %mul3A_10 = arith.muli %add3A, %mul3A_9 : i32
    %add3A_11 = arith.constant 784 : i32
    %add3A_12 = arith.addi %mul3A_10, %add3A_11 : i32
    "tpu.region"() ({
      %run_scoped3A = tpu.sem_alloc : memref<!tpu.dma_semaphore, #tpu.memory_space<semaphore_mem>>
      %dma_start3A_19 = tpu.memref_slice %arg3[%add3A_12] : memref<50176xi32, #tpu.memory_space<hbm>> -> memref<784xi32, #tpu.memory_space<hbm>>
      %dma_start3A_20 = tpu.memref_slice %arg3[%add3A_12] : memref<50176xi32, #tpu.memory_space<hbm>> -> memref<784xi32, #tpu.memory_space<hbm>>
      tpu.enqueue_dma source(%dma_start3A_20 : memref<784xi32, #tpu.memory_space<hbm>>) target(%arg5 : memref<784xi32, #tpu.memory_space<vmem>>) target_semaphore(%run_scoped3A : memref<!tpu.dma_semaphore, #tpu.memory_space<semaphore_mem>>)
      %dma_wait3A_21 = tpu.memref_slice %arg3[%add3A_12] : memref<50176xi32, #tpu.memory_space<hbm>> -> memref<784xi32, #tpu.memory_space<hbm>>
      %dma_wait3A_22 = tpu.memref_slice %arg3[%add3A_12] : memref<50176xi32, #tpu.memory_space<hbm>> -> memref<784xi32, #tpu.memory_space<hbm>>
      tpu.wait_dma2 semaphore(%run_scoped3A : memref<!tpu.dma_semaphore, #tpu.memory_space<semaphore_mem>>) src(%dma_wait3A_22 : memref<784xi32, #tpu.memory_space<hbm>>) dst(%arg5 : memref<784xi32, #tpu.memory_space<vmem>>)
      tpu.yield
    }) : () -> ()
    %dma_start3A_13 = arith.constant 0 : i32
    %dma_start3A_14 = arith.constant 0 : i32
    %dma_start3A_15 = tpu.memref_slice %arg2[%dma_start3A_13, %dma_start3A_14] : memref<8192x128xf32, #tpu.memory_space<hbm>> -> memref<8192x128xf32, #tpu.memory_space<hbm>>
    tpu.enqueue_indirect_dma source(%dma_start3A_15 : memref<8192x128xf32, #tpu.memory_space<hbm>>) target(%arg6 : memref<784x128xf32, #tpu.memory_space<vmem>>) offsets(%arg5 : memref<784xi32, #tpu.memory_space<vmem>>) semaphore(%arg7 : memref<!tpu.dma_semaphore, #tpu.memory_space<semaphore_mem>>)
    %dma_wait3A_16 = arith.constant 0 : i32
    %dma_wait3A_17 = arith.constant 0 : i32
    %dma_wait3A_18 = tpu.memref_slice %arg2[%dma_wait3A_16, %dma_wait3A_17] : memref<8192x128xf32, #tpu.memory_space<hbm>> -> memref<8192x128xf32, #tpu.memory_space<hbm>>
    tpu.wait_indirect_dma semaphore(%arg7 : memref<!tpu.dma_semaphore, #tpu.memory_space<semaphore_mem>>) src(%dma_wait3A_18 : memref<8192x128xf32, #tpu.memory_space<hbm>>) dst(%arg6 : memref<784x128xf32, #tpu.memory_space<vmem>>)
    "tpu.region"() ({
      %run_scoped3A = tpu.sem_alloc : memref<!tpu.dma_semaphore, #tpu.memory_space<semaphore_mem>>
      %dma_start3A_19 = arith.constant 0 : i32
      %dma_start3A_20 = tpu.memref_slice %arg4[%add3A_12, %dma_start3A_19] : memref<50176x128xf32, #tpu.memory_space<hbm>> -> memref<784x128xf32, #tpu.memory_space<hbm>>
      %dma_start3A_21 = arith.constant 0 : i32
      %dma_start3A_22 = tpu.memref_slice %arg4[%add3A_12, %dma_start3A_21] : memref<50176x128xf32, #tpu.memory_space<hbm>> -> memref<784x128xf32, #tpu.memory_space<hbm>>
      tpu.enqueue_dma source(%arg6 : memref<784x128xf32, #tpu.memory_space<vmem>>) target(%dma_start3A_22 : memref<784x128xf32, #tpu.memory_space<hbm>>) target_semaphore(%run_scoped3A : memref<!tpu.dma_semaphore, #tpu.memory_space<semaphore_mem>>)
      %dma_wait3A_23 = arith.constant 0 : i32
      %dma_wait3A_24 = tpu.memref_slice %arg4[%add3A_12, %dma_wait3A_23] : memref<50176x128xf32, #tpu.memory_space<hbm>> -> memref<784x128xf32, #tpu.memory_space<hbm>>
      %dma_wait3A_25 = arith.constant 0 : i32
      %dma_wait3A_26 = tpu.memref_slice %arg4[%add3A_12, %dma_wait3A_25] : memref<50176x128xf32, #tpu.memory_space<hbm>> -> memref<784x128xf32, #tpu.memory_space<hbm>>
      tpu.wait_dma2 semaphore(%run_scoped3A : memref<!tpu.dma_semaphore, #tpu.memory_space<semaphore_mem>>) src(%arg6 : memref<784x128xf32, #tpu.memory_space<vmem>>) dst(%dma_wait3A_26 : memref<784x128xf32, #tpu.memory_space<hbm>>)
      tpu.yield
    }) : () -> ()
    return
  }
}

module attributes {stable_mosaic.version = 14 : i64} {
  func.func @_stage_body(%arg0: i32, %arg1: memref<1024x32xf32, #tpu.memory_space<vmem>>, %arg2: memref<8192x32xf32, #tpu.memory_space<vmem>>, %arg3: memref<1024x1xf32, #tpu.memory_space<vmem>>, %arg4: memref<8192xf32, #tpu.memory_space<vmem>>, %arg5: memref<1024xi32, #tpu.memory_space<vmem>>, %arg6: memref<1x1xf32, #tpu.memory_space<vmem>>, %arg7: memref<2x4096xf32, #tpu.memory_space<vmem>>, %arg8: memref<1xf32, #tpu.memory_space<smem>>) attributes {dimension_semantics = [#tpu.dimension_semantics<arbitrary>], iteration_bounds = array<i64: 49>, scalar_prefetch = 0 : i64, scratch_operands = 2 : i64, tpu.core_type = #tpu.core_type<tc>, window_params = [{transform_indices = @transform_0, window_bounds = array<i64: 1024, 32>}, {pipeline_mode = #tpu.pipeline_mode<synchronous>, transform_indices = @transform_1, window_bounds = array<i64: 8192, 32>}, {transform_indices = @transform_2, window_bounds = array<i64: 1024, 1>}, {pipeline_mode = #tpu.pipeline_mode<synchronous>, transform_indices = @transform_3, window_bounds = array<i64: 8192>}, {transform_indices = @transform_4, window_bounds = array<i64: 1024>}, {pipeline_mode = #tpu.pipeline_mode<synchronous>, transform_indices = @transform_5, window_bounds = array<i64: 1, 1>}]} {
    %eq3A = arith.constant 0 : i32
    %eq3A_0 = arith.cmpi eq, %arg0, %eq3A : i32
    %convert_element_type3A = arith.extui %eq3A_0 : i1 to i32
    %cond3A = arith.constant 0 : i32
    %cond3A_1 = arith.cmpi ne, %convert_element_type3A, %cond3A : i32
    scf.if %cond3A_1 {
      %broadcast_in_dim3A_36 = arith.constant 0.000000e+00 : f32
      %broadcast_in_dim3A_37 = vector.broadcast %broadcast_in_dim3A_36 : f32 to vector<2x4096xf32>
      %swap3A_38 = arith.constant 0 : index
      %swap3A_39 = arith.constant 0 : index
      %swap3A_40 = vector.load %arg7[%swap3A_38, %swap3A_39] : memref<2x4096xf32, #tpu.memory_space<vmem>>, vector<2x4096xf32>
      tpu.vector_store %arg7[%swap3A_38, %swap3A_39], %broadcast_in_dim3A_37 {strides = array<i32>} : memref<2x4096xf32, #tpu.memory_space<vmem>>, vector<2x4096xf32>,
      %swap3A_41 = arith.constant 0.000000e+00 : f32
      %swap3A_42 = arith.constant 0 : index
      %swap3A_43 = memref.load %arg8[%swap3A_42] : memref<1xf32, #tpu.memory_space<smem>>
      memref.store %swap3A_41, %arg8[%swap3A_42] : memref<1xf32, #tpu.memory_space<smem>>
    } else {
    }
    %get3A = arith.constant 0 : index
    %get3A_2 = arith.constant 0 : index
    %get3A_3 = vector.load %arg1[%get3A, %get3A_2] : memref<1024x32xf32, #tpu.memory_space<vmem>>, vector<1024x32xf32>
    %get3A_4 = arith.constant 0 : index
    %get3A_5 = arith.constant 0 : index
    %get3A_6 = vector.load %arg3[%get3A_4, %get3A_5] : memref<1024x1xf32, #tpu.memory_space<vmem>>, vector<1024x1xf32>
    %broadcast_in_dim3A = arith.constant 0x7F800000 : f32
    %broadcast_in_dim3A_7 = vector.broadcast %broadcast_in_dim3A : f32 to vector<1024xf32>
    %broadcast_in_dim3A_8 = arith.constant 0 : i32
    %broadcast_in_dim3A_9 = vector.broadcast %broadcast_in_dim3A_8 : i32 to vector<1024xi32>
    %scan3A = arith.constant 0 : i32
    %scan3A_10 = arith.constant 2 : i32
    %scan3A_11 = arith.addi %scan3A, %scan3A_10 : i32
    %scan3A_12 = arith.constant 1 : i32
    %scan3A_13:2 = scf.for %scan3A_36 = %scan3A to %scan3A_11 step %scan3A_12 iter_args(%scan3A_37 = %broadcast_in_dim3A_7, %scan3A_38 = %broadcast_in_dim3A_9) -> (vector<1024xf32>, vector<1024xi32>)  : i32 {
      %mul3A = arith.constant 4096 : i32
      %mul3A_39 = arith.muli %scan3A_36, %mul3A : i32
      %multiple_of3A = tpu.assume_multiple %mul3A_39, 4096 : i32
      %get3A_40 = arith.index_cast %multiple_of3A : i32 to index
      %get3A_41 = arith.constant 0 : index
      %get3A_42 = vector.load %arg2[%get3A_40, %get3A_41] : memref<8192x32xf32, #tpu.memory_space<vmem>>, vector<4096x32xf32>
      %get3A_43 = arith.index_cast %multiple_of3A : i32 to index
      %get3A_44 = vector.load %arg4[%get3A_43] : memref<8192xf32, #tpu.memory_space<vmem>>, vector<4096xf32>
      %dot_general3A = arith.constant dense<0.000000e+00> : vector<1024x4096xf32>
      %dot_general3A_45 = tpu.matmul %get3A_3, %get3A_42, %dot_general3A {dimension_numbers = #tpu.dot_dimension_numbers<[1], [1], [0], [0], [0, 0, 1, 0], [], []>, transpose_lhs_hint = false} : vector<1024x32xf32>, vector<4096x32xf32>, vector<1024x4096xf32> -> vector<1024x4096xf32>
      %broadcast_in_dim3A_46 = vector.shape_cast %get3A_44 : vector<4096xf32> to vector<1x4096xf32>
      %add3A_47 = vector.broadcast %get3A_6 : vector<1024x1xf32> to vector<1024x4096xf32>
      %add3A_48 = vector.broadcast %broadcast_in_dim3A_46 : vector<1x4096xf32> to vector<1024x4096xf32>
      %add3A_49 = arith.addf %add3A_47, %add3A_48 : vector<1024x4096xf32>
      %mul3A_50 = arith.constant 2.000000e+00 : f32
      %mul3A_51 = vector.broadcast %mul3A_50 : f32 to vector<1024x4096xf32>
      %mul3A_52 = arith.mulf %mul3A_51, %dot_general3A_45 : vector<1024x4096xf32>
      %sub3A = arith.subf %add3A_49, %mul3A_52 : vector<1024x4096xf32>
      %reduce_min3A = arith.constant dense<0x7F800000> : vector<1024xf32>
      %reduce_min3A_53 = vector.multi_reduction <minimumf>, %sub3A, %reduce_min3A [1] : vector<1024x4096xf32> to vector<1024xf32>
      %iota3A = tpu.iota {dimensions = array<i32: 1>} : vector<1024x4096xi32>
      %broadcast_in_dim3A_54 = vector.shape_cast %reduce_min3A_53 : vector<1024xf32> to vector<1024x1xf32>
      %eq3A_55 = vector.broadcast %broadcast_in_dim3A_54 : vector<1024x1xf32> to vector<1024x4096xf32>
      %eq3A_56 = arith.cmpf oeq, %sub3A, %eq3A_55 : vector<1024x4096xf32>
      %jit3A = arith.constant 4096 : i32
      %broadcast_in_dim3A_57 = vector.broadcast %jit3A : i32 to vector<1024x4096xi32>
      %select_n3A = arith.select %eq3A_56, %iota3A, %broadcast_in_dim3A_57 : vector<1024x4096xi1>, vector<1024x4096xi32>
      %reduce_min3A_58 = arith.constant dense<2147483647> : vector<1024xi32>
      %reduce_min3A_59 = vector.multi_reduction <minsi>, %select_n3A, %reduce_min3A_58 [1] : vector<1024x4096xi32> to vector<1024xi32>
      %add3A_60 = vector.broadcast %multiple_of3A : i32 to vector<1024xi32>
      %add3A_61 = arith.addi %reduce_min3A_59, %add3A_60 : vector<1024xi32>
      %lt3A = arith.cmpf olt, %reduce_min3A_53, %scan3A_37 : vector<1024xf32>
      %select_n3A_62 = arith.select %lt3A, %reduce_min3A_53, %scan3A_37 : vector<1024xi1>, vector<1024xf32>
      %select_n3A_63 = arith.select %lt3A, %add3A_61, %scan3A_38 : vector<1024xi1>, vector<1024xi32>
      scf.yield %select_n3A_62, %select_n3A_63 : vector<1024xf32>, vector<1024xi32>
    }
    %scan3A_14 = arith.constant 2 : i32
    %swap3A = arith.constant 0 : index
    %swap3A_15 = vector.load %arg5[%swap3A] : memref<1024xi32, #tpu.memory_space<vmem>>, vector<1024xi32>
    tpu.vector_store %arg5[%swap3A], %scan3A_13#1 {strides = array<i32>} : memref<1024xi32, #tpu.memory_space<vmem>>, vector<1024xi32>,
    %get3A_16 = arith.constant 0 : index
    %get3A_17 = memref.load %arg8[%get3A_16] : memref<1xf32, #tpu.memory_space<smem>>
    %max3A = arith.constant 0.000000e+00 : f32
    %max3A_18 = vector.broadcast %max3A : f32 to vector<1024xf32>
    %max3A_19 = arith.maximumf %scan3A_13#0, %max3A_18 : vector<1024xf32>
    %reduce_sum3A = vector.shape_cast %max3A_19 : vector<1024xf32> to vector<1x1024xf32>
    %reduce_sum3A_20 = arith.constant dense<0.000000e+00> : vector<1xf32>
    %reduce_sum3A_21 = vector.multi_reduction <add>, %reduce_sum3A, %reduce_sum3A_20 [1] : vector<1x1024xf32> to vector<1xf32>
    %reduce_sum3A_22 = vector.shape_cast %reduce_sum3A_21 : vector<1xf32> to vector<1x1xf32>
    %reduce_sum3A_23 = vector.extract %reduce_sum3A_22[0, 0] : f32 from vector<1x1xf32>
    %add3A = arith.addf %get3A_17, %reduce_sum3A_23 : f32
    %swap3A_24 = arith.constant 0 : index
    %swap3A_25 = memref.load %arg8[%swap3A_24] : memref<1xf32, #tpu.memory_space<smem>>
    memref.store %add3A, %arg8[%swap3A_24] : memref<1xf32, #tpu.memory_space<smem>>
    %scan3A_26 = arith.constant 0 : i32
    %scan3A_27 = arith.constant 2 : i32
    %scan3A_28 = arith.addi %scan3A_26, %scan3A_27 : i32
    %scan3A_29 = arith.constant 1 : i32
    scf.for %scan3A_36 = %scan3A_26 to %scan3A_28 step %scan3A_29  : i32 {
      %mul3A = arith.constant 4096 : i32
      %mul3A_37 = arith.muli %scan3A_36, %mul3A : i32
      %multiple_of3A = tpu.assume_multiple %mul3A_37, 4096 : i32
      %iota3A = tpu.iota {dimensions = array<i32: 1>} : vector<1024x4096xi32>
      %add3A_38 = vector.broadcast %multiple_of3A : i32 to vector<1024x4096xi32>
      %add3A_39 = arith.addi %iota3A, %add3A_38 : vector<1024x4096xi32>
      %broadcast_in_dim3A_40 = vector.shape_cast %scan3A_13#1 : vector<1024xi32> to vector<1024x1xi32>
      %eq3A_41 = vector.broadcast %broadcast_in_dim3A_40 : vector<1024x1xi32> to vector<1024x4096xi32>
      %eq3A_42 = arith.cmpi eq, %eq3A_41, %add3A_39 : vector<1024x4096xi32>
      %convert_element_type3A_43 = arith.extui %eq3A_42 : vector<1024x4096xi1> to vector<1024x4096xi32>
      %convert_element_type3A_44 = arith.sitofp %convert_element_type3A_43 : vector<1024x4096xi32> to vector<1024x4096xf32>
      %get3A_45 = arith.index_cast %scan3A_36 : i32 to index
      %get3A_46 = arith.constant 0 : index
      %get3A_47 = vector.load %arg7[%get3A_45, %get3A_46] : memref<2x4096xf32, #tpu.memory_space<vmem>>, vector<1x4096xf32>
      %reduce_sum3A_48 = arith.constant dense<0.000000e+00> : vector<4096xf32>
      %reduce_sum3A_49 = vector.multi_reduction <add>, %convert_element_type3A_44, %reduce_sum3A_48 [0] : vector<1024x4096xf32> to vector<4096xf32>
      %broadcast_in_dim3A_50 = vector.shape_cast %reduce_sum3A_49 : vector<4096xf32> to vector<1x4096xf32>
      %add3A_51 = arith.addf %get3A_47, %broadcast_in_dim3A_50 : vector<1x4096xf32>
      %swap3A_52 = arith.index_cast %scan3A_36 : i32 to index
      %swap3A_53 = arith.constant 0 : index
      %swap3A_54 = vector.load %arg7[%swap3A_52, %swap3A_53] : memref<2x4096xf32, #tpu.memory_space<vmem>>, vector<1x4096xf32>
      tpu.vector_store %arg7[%swap3A_52, %swap3A_53], %add3A_51 {strides = array<i32>} : memref<2x4096xf32, #tpu.memory_space<vmem>>, vector<1x4096xf32>,
    }
    %scan3A_30 = arith.constant 2 : i32
    %eq3A_31 = arith.constant 48 : i32
    %eq3A_32 = arith.cmpi eq, %arg0, %eq3A_31 : i32
    %convert_element_type3A_33 = arith.extui %eq3A_32 : i1 to i32
    %cond3A_34 = arith.constant 0 : i32
    %cond3A_35 = arith.cmpi ne, %convert_element_type3A_33, %cond3A_34 : i32
    scf.if %cond3A_35 {
      %get3A_36 = arith.constant 0 : index
      %get3A_37 = arith.constant 0 : index
      %get3A_38 = vector.load %arg7[%get3A_36, %get3A_37] : memref<2x4096xf32, #tpu.memory_space<vmem>>, vector<2x4096xf32>
      %reduce_sum3A_39 = vector.shape_cast %get3A_38 : vector<2x4096xf32> to vector<1x2x4096xf32>
      %reduce_sum3A_40 = arith.constant dense<0.000000e+00> : vector<1xf32>
      %reduce_sum3A_41 = vector.multi_reduction <add>, %reduce_sum3A_39, %reduce_sum3A_40 [1, 2] : vector<1x2x4096xf32> to vector<1xf32>
      %reduce_sum3A_42 = vector.shape_cast %reduce_sum3A_41 : vector<1xf32> to vector<1x1x1xf32>
      %reduce_sum3A_43 = vector.extract %reduce_sum3A_42[0, 0, 0] : f32 from vector<1x1x1xf32>
      %add3A_44 = arith.constant 9.99999974E-6 : f32
      %add3A_45 = vector.broadcast %add3A_44 : f32 to vector<2x4096xf32>
      %add3A_46 = arith.addf %get3A_38, %add3A_45 : vector<2x4096xf32>
      %add3A_47 = arith.constant 0.0819199979 : f32
      %add3A_48 = arith.addf %reduce_sum3A_43, %add3A_47 : f32
      %div3A = vector.broadcast %add3A_48 : f32 to vector<2x4096xf32>
      %div3A_49 = arith.divf %add3A_46, %div3A : vector<2x4096xf32>
      %add3A_50 = arith.constant 9.99999974E-6 : f32
      %add3A_51 = vector.broadcast %add3A_50 : f32 to vector<2x4096xf32>
      %add3A_52 = arith.addf %div3A_49, %add3A_51 : vector<2x4096xf32>
      %log3A = math.log %add3A_52 : vector<2x4096xf32>
      %mul3A = arith.mulf %div3A_49, %log3A : vector<2x4096xf32>
      %reduce_sum3A_53 = vector.shape_cast %mul3A : vector<2x4096xf32> to vector<1x2x4096xf32>
      %reduce_sum3A_54 = arith.constant dense<0.000000e+00> : vector<1xf32>
      %reduce_sum3A_55 = vector.multi_reduction <add>, %reduce_sum3A_53, %reduce_sum3A_54 [1, 2] : vector<1x2x4096xf32> to vector<1xf32>
      %reduce_sum3A_56 = vector.shape_cast %reduce_sum3A_55 : vector<1xf32> to vector<1x1x1xf32>
      %reduce_sum3A_57 = vector.extract %reduce_sum3A_56[0, 0, 0] : f32 from vector<1x1x1xf32>
      %neg3A = arith.constant 0.000000e+00 : f32
      %neg3A_58 = arith.subf %neg3A, %reduce_sum3A_57 : f32
      %log3A_59 = arith.constant 8.192000e+03 : f32
      %log3A_60 = math.log %log3A_59 : f32
      %sub3A = arith.subf %log3A_60, %neg3A_58 : f32
      %get3A_61 = arith.constant 0 : index
      %get3A_62 = memref.load %arg8[%get3A_61] : memref<1xf32, #tpu.memory_space<smem>>
      %mul3A_63 = arith.constant 2.500000e-01 : f32
      %mul3A_64 = arith.mulf %mul3A_63, %get3A_62 : f32
      %div3A_65 = arith.constant 0x49C40000 : f32
      %div3A_66 = arith.divf %mul3A_64, %div3A_65 : f32
      %mul3A_67 = arith.constant 0.00999999977 : f32
      %mul3A_68 = arith.mulf %mul3A_67, %sub3A : f32
      %add3A_69 = arith.addf %div3A_66, %mul3A_68 : f32
      %broadcast_in_dim3A_70 = vector.broadcast %add3A_69 : f32 to vector<1x1xf32>
      %swap3A_71 = arith.constant 0 : index
      %swap3A_72 = arith.constant 0 : index
      %swap3A_73 = vector.load %arg6[%swap3A_71, %swap3A_72] : memref<1x1xf32, #tpu.memory_space<vmem>>, vector<1x1xf32>
      tpu.vector_store %arg6[%swap3A_71, %swap3A_72], %broadcast_in_dim3A_70 {strides = array<i32>} : memref<1x1xf32, #tpu.memory_space<vmem>>, vector<1x1xf32>,
    } else {
    }
    return
  }
  func.func @transform_0(%arg0: i32) -> (i32, i32) {
    %c0_i32 = arith.constant 0 : i32
    %c0_i32_0 = arith.constant 0 : i32
    return %arg0, %c0_i32 : i32, i32
  }
  func.func @transform_1(%arg0: i32) -> (i32, i32) {
    %c0_i32 = arith.constant 0 : i32
    %c0_i32_0 = arith.constant 0 : i32
    %c0_i32_1 = arith.constant 0 : i32
    return %c0_i32, %c0_i32_0 : i32, i32
  }
  func.func @transform_2(%arg0: i32) -> (i32, i32) {
    %c0_i32 = arith.constant 0 : i32
    %c0_i32_0 = arith.constant 0 : i32
    return %arg0, %c0_i32 : i32, i32
  }
  func.func @transform_3(%arg0: i32) -> i32 {
    %c0_i32 = arith.constant 0 : i32
    %c0_i32_0 = arith.constant 0 : i32
    return %c0_i32 : i32
  }
  func.func @transform_4(%arg0: i32) -> i32 {
    %c0_i32 = arith.constant 0 : i32
    return %arg0 : i32
  }
  func.func @transform_5(%arg0: i32) -> (i32, i32) {
    %c0_i32 = arith.constant 0 : i32
    %c0_i32_0 = arith.constant 0 : i32
    %c0_i32_1 = arith.constant 0 : i32
    return %c0_i32, %c0_i32_0 : i32, i32
  }
}

</mosaic_0001>

<sc_bundles>
// kernel: kernel.6.cloned.1.call-start
scs
__scs_entry_jumppad:
0x0: {  	(pc) =	sbr.rel $0x88, $3  }
0x1: {  	(tag) =	ssettag $0x0;
	lr =	simm.s32 $0x1  }
0x2: {  	[smem:$0x3F9E] =	sst lr;
	_ =	strace $0xD0000000  }
0x3: {  	_ = 	snop  }
0x4: {  	_ = 	snop  }
0x5: {  	_ = 	snop  }
0x6: {  	_ = 	snop  }
0x7: {  	_ = 	snop  }
__scs_overlays_trampoline_lowered:
0x8: {  	[smem:$0x3FAD] =	sst s0  }
0x9: {  	[smem:$0x3FAE] =	sst s1  }
0xa: {  	[smem:$0x3FAF] =	sst s2  }
0xb: {  	[smem:$0x3FB0] =	sst s3  }
0xc: {  	[smem:$0x3FB1] =	sst s4  }
0xd: {  	[smem:$0x3FB2] =	sst s5  }
0xe: {  	[smem:$0x3FB3] =	sst s6  }
0xf: {  	[smem:$0x3FB4] =	sst s7  }
0x10: {  	[smem:$0x3FB5] =	sst s8  }
0x11: {  	[smem:$0x3FB6] =	sst s9;
	s0 =	simm.s32 @!p0 $0x0  }
0x12: {  	s1 =	sld [smem:$0x3F9C];
	s0 =	simm.s32 @p0 $0x1  }
0x13: {  	[smem:$0x3FB7] =	sst s0;
	s0 =	simm.s32 @!p1 $0x0  }
0x14: {  	s2 =	sld [smem:$0x3F9B];
	s0 =	simm.s32 @p1 $0x1  }
0x15: {  	[smem:$0x3FB8] =	sst s0;
	s0 =	simm.s32 @!p2 $0x0  }
0x16: {  	s3 =	sld [smem:$0x3FDB];
	s0 =	simm.s32 @p2 $0x1  }
0x17: {  	s4 =	simm.s32 $0x1BF5;
	[smem:$0x3FBA] =	sst s0  }
0x18: {  	s0 =	sld [smem:$0x3F9D];
	_ =	swait.ge [sflag:s4], $0x0  }
0x19: {  	s7 =	sld [smem:$0x3F9E]  }
0x1a: {  	s8 =	sadd.s32 $0xFFFFE003, lr  }
0x1b: {  	s9 =	sadd.s32 $0xFFFFFEF7, lr;
	s5 =	simm.s32 $0xFFFFFFFF;
	p2 =	slt.u32 s8, $0xFFFFF086  }
0x1c: {  	p1 =	slt.u32 s9, $0xF7A;
	s5 =	simm.s32 @!p2 $0x0  }
0x1d: {  	s5 =	simm.s32 @p1 $0x1;
	p0 =	seq.s32 s7, s2  }
0x1e: {  	s7 =	smul.u32 @!p0 $0xF7A, s2;
	p2 =	seq.s32 @!p0 s5, $0x0  }
0x1f: {  	s9 =	smul.u32 $0xF7A, s1;
	s8 =	simm.s32 @!p0 $0x1BF5;
	p2 =	por !p2, p0  }
0x20: {  	[sflag:s8] =	ssyncset.s32 @!p0 $0xFFFFF086;
	s6 =	sadd.s32 @!p0 s3, s7;
	s7 =	simm.s32 @!p0 $0x108  }
0x21: {  	s3 =	sadd.s32 s3, s9;
	s6 =	sadd.s32 @!p0 $0x88, s6;
	s7 =	simm.s32 @p2 $0x1082  }
0x22: {  	[simem:s7], [sflag:s8] =	dma.local @!p0 [hbm:s6], $0xF7A  }
0x23: {  	s9 =	sor.u32 $0xD0000000, s2;
	s6 =	simm.s32 $0x108;
	_ =	swait.ge @!p0 [sflag:s8], $0x0  }
0x24: {  	s3 =	sadd.s32 $0x88, s3;
	s6 =	simm.s32 @!p1 $0x1082;
	[sflag:s4] =	ssyncset.s32 $0xFFFFF086  }
0x25: {  	[simem:s6], [sflag:s4] =	dma.local [hbm:s3], $0xF7A  }
0x26: {  	[smem:$0x3F9E] =	sst s1;
	(tag) =	ssettag s2;
	_ =	strace s9  }
0x27: {  	s1 =	sld [smem:$0x3FAE]  }
0x28: {  	s2 =	sld [smem:$0x3FAF]  }
0x29: {  	s4 =	sld [smem:$0x3FB1]  }
0x2a: {  	p0 =	seq.s32 s5, $0x0;
	s5 =	sld [smem:$0x3FB2]  }
0x2b: {  	s6 =	sld [smem:$0x3FB3]  }
0x2c: {  	s7 =	sld [smem:$0x3FB4]  }
0x2d: {  	s3 =	simm.s32 $0x108;
	s8 =	sld [smem:$0x3FB5]  }
0x2e: {  	s3 =	simm.s32 @!p0 $0x1082;
	s9 =	sld [smem:$0x3FB6]  }
0x2f: {  	lr =	sadd.s32 s0, s3;
	s0 =	sld [smem:$0x3FAD]  }
0x30: {  	s3 =	sld [smem:$0x3FB0]  }
0x31: {  	[smem:$0x3FB9] =	sst s10  }
0x32: {  	s10 =	sld [smem:$0x3FB7];
	_ =	sdelay $0x3  }
0x33: {  	p0 =	seq.s32 s10, $0x1;
	s10 =	sld [smem:$0x3FB9];
	_ =	sdelay $0x3  }
0x34: {  	[smem:$0x3FB9] =	sst s10  }
0x35: {  	s10 =	sld [smem:$0x3FB8];
	_ =	sdelay $0x3  }
0x36: {  	p1 =	seq.s32 s10, $0x1;
	s10 =	sld [smem:$0x3FB9];
	_ =	sdelay $0x3  }
0x37: {  	[smem:$0x3FB9] =	sst s10  }
0x38: {  	s10 =	sld [smem:$0x3FBA]  }
0x39: {  	_ = 	snop;
	(pc) =	sbr.ind lr, $3  }
0x3a: {  	_ = 	snop  }
0x3b: {  	_ = 	snop  }
0x3c: {  	p2 =	seq.s32 s10, $0x1;
	s10 =	sld [smem:$0x3FB9]  }
0x3d: {  	_ =	shalt  }
0x3e: {  	_ =	shalt  }
0x3f: {  	_ =	shalt  }
0x40: {  	_ =	shalt  }
0x41: {  	_ =	shalt  }
0x42: {  	_ =	shalt  }
0x43: {  	_ =	shalt  }
0x44: {  	_ =	shalt  }
0x45: {  	_ =	shalt  }
0x46: {  	_ =	shalt  }
0x47: {  	_ =	shalt  }
0x48: {  	_ =	shalt  }
0x49: {  	_ =	shalt  }
0x4a: {  	_ =	shalt  }
0x4b: {  	_ =	shalt  }
0x4c: {  	_ =	shalt  }
0x4d: {  	_ =	shalt  }
0x4e: {  	_ =	shalt  }
0x4f: {  	_ =	shalt  }
0x50: {  	_ =	shalt  }
0x51: {  	_ =	shalt  }
0x52: {  	_ =	shalt  }
0x53: {  	_ =	shalt  }
0x54: {  	_ =	shalt  }
0x55: {  	_ =	shalt  }
0x56: {  	_ =	shalt  }
0x57: {  	_ =	shalt  }
0x58: {  	_ =	shalt  }
0x59: {  	_ =	shalt  }
0x5a: {  	_ =	shalt  }
0x5b: {  	_ =	shalt  }
0x5c: {  	_ =	shalt  }
0x5d: {  	_ =	shalt  }
0x5e: {  	_ =	shalt  }
0x5f: {  	_ =	shalt  }
0x60: {  	_ =	shalt  }
0x61: {  	_ =	shalt  }
0x62: {  	_ =	shalt  }
0x63: {  	_ =	shalt  }
0x64: {  	_ =	shalt  }
0x65: {  	_ =	shalt  }
0x66: {  	_ =	shalt  }
0x67: {  	_ =	shalt  }
0x68: {  	_ =	shalt  }
0x69: {  	_ =	shalt  }
0x6a: {  	_ =	shalt  }
0x6b: {  	_ =	shalt  }
0x6c: {  	_ =	shalt  }
0x6d: {  	_ =	shalt  }
0x6e: {  	_ =	shalt  }
0x6f: {  	_ =	shalt  }
0x70: {  	_ =	shalt  }
0x71: {  	_ =	shalt  }
0x72: {  	_ =	shalt  }
0x73: {  	_ =	shalt  }
0x74: {  	_ =	shalt  }
0x75: {  	_ =	shalt  }
0x76: {  	_ =	shalt  }
0x77: {  	_ =	shalt  }
0x78: {  	_ =	shalt  }
0x79: {  	_ =	shalt  }
0x7a: {  	_ =	shalt  }
0x7b: {  	_ =	shalt  }
0x7c: {  	_ =	shalt  }
0x7d: {  	_ =	shalt  }
0x7e: {  	_ =	shalt  }
0x7f: {  	_ =	shalt  }
0x80: {  	_ =	shalt  }
0x81: {  	_ =	shalt  }
0x82: {  	_ =	shalt  }
0x83: {  	_ =	shalt  }
0x84: {  	_ =	shalt  }
0x85: {  	_ =	shalt  }
0x86: {  	_ =	shalt  }
0x87: {  	_ =	shalt  }
.Lfunc_end0:
.L_simem_size_0:
called_computation_lowered:
.L_overlay_start_0:
0x88: {  	s2 =	sld [smem:$0x3FD9]  }
0x89: {  	s3 =	sld [smem:$0x3FFE];
	_ =	sdelay $0x1  }
0x8a: {  	s1 =	srdreg.scid  }
0x8b: {  	s0 =	sand.u32 $0x1, s1  }
0x8c: {  	s14 =	sshll.u32 s0, $0xA;
	s2 =	sadd.s32 s3, s2  }
0x8d: {  	s2 =	sadd.s32 s2, s14  }
0x8e: {  	[smem:$0x3FC5] =	sst s2  }
0x8f: {  	_ = 	snop  }
0x90: {  	s2 =	sld [smem:$0x3FD0];
	_ =	sdelay $0x2  }
0x91: {  	s15 =	simm.s32 $0xA;
	s4 =	simm.s32 $0x10  }
0x92: {  	[smem:s4], [sflag:s15] =	dma.local [hbm:s2], $0x1  }
0x93: {  	_ =	swait.eq [sflag:s15], $0x1  }
0x94: {  	[sflag:s15] =	ssyncset.done $0x0  }
0x95: {  	[sflag:s15] =	ssyncadd.s32 $0xFFFFFFFF  }
0x96: {  	s16 =	sld [smem:$0x12];
	(tm) =	ssettm $0x1  }
0x97: {  	s17 =	sld [smem:$0x3FFB];
	_ =	sdelay $0x3  }
0x98: {  	_ =	strace s17  }
0x99: {  	s3 =	sld [smem:$0x3FFC];
	_ =	sdelay $0x3  }
0x9a: {  	_ =	strace s3  }
0x9b: {  	s3 =	sld [smem:$0x3FFD];
	_ =	sdelay $0x3  }
0x9c: {  	_ =	strace s3  }
0x9d: {  	_ =	strace $0x8FFFFFFF  }
0x9e: {  	s18 =	sld [smem:$0x3FDB];
	_ =	sdelay $0x1  }
0x9f: {  	s19 =	simm.s32 $_scs_section_size  }
0xa0: {  	s5 =	simm.s32 $_size__tile_overlayer_lowered;
	s6 =	simm.s32 $_tile_overlayer_lowered  }
0xa1: {  	s22 =	simm.s32 $0x1BFF;
	s21 =	sshll.u32 s6, $0x1;
	s3 =	sadd.s32 s19, s18  }
0xa2: {  	s7 =	simm.s32 $0x0;
	s20 =	sshll.u32 s5, $0x1;
	s5 =	sadd.s32 s21, s3  }
0xa3: {  	[timem:s7], [sflag:s22] =	dma.local [hbm:s5], s20  }
0xa4: {  	_ =	swait.ge [sflag:s22], s20  }
0xa5: {  	s4 =	ssub.s32 $0x0, s20;
	[sflag:s22] =	ssyncset.done $0x0  }
0xa6: {  	[sflag:s22] =	ssyncadd.s32 s4;
	_ =	sdelay $0x1  }
0xa7: {  	s23 =	simm.s32 $0x1B8B  }
0xa8: {  	_ =	swait.ge [sflag:s23], $0x1  }
0xa9: {  	[sflag:s23] =	ssyncset.done $0x0  }
0xaa: {  	s25 =	simm.s32 $0x1B8E;
	s24 =	sld [smem:$0x3FFE];
	[sflag:s23] =	ssyncadd.s32 $0xFFFFFFFF  }
0xab: {  	s26 =	simm.s32 $execute0_lowered;
	[smem:$0x3FD2] =	sst s25  }
0xac: {  	s5 =	sshll.u32 s26, $0x1;
	_ =	strace $0x80000046;
	[dreg:$0x1] =	wrdreg $0xFFFFFFFF  }
0xad: {  	s28 =	simm.s32 $_size_execute0_lowered;
	s3 =	sadd.s32 s3, s5;
	[dreg:$0x0] =	wrdreg $0x0  }
0xae: {  	s5 =	sshll.u32 s28, $0x1;
	[dreg:$0x2] =	wrdreg s3  }
0xaf: {  	[dreg:$0x3] =	wrdreg s5  }
0xb0: {  	[dreg:$0x4] =	wrdreg $0xC0  }
0xb1: {  	_ =	task [dreg:s7], $0x5FFFF  }
0xb2: {  	[dreg:$0x1] =	wrdreg $0xFFFFFFFF  }
0xb3: {  	[dreg:$0x0] =	wrdreg $0x60  }
0xb4: {  	[dreg:$0x2] =	wrdreg s24  }
0xb5: {  	[dreg:$0x3] =	wrdreg s16  }
0xb6: {  	[dreg:$0x4] =	wrdreg $0x9  }
0xb7: {  	_ =	task.clear_ibuf [dreg:s7], $0x5FFFF;
	_ =	strace $0x90000046  }
0xb8: {  	s29 =	simm.s32 $0x9;
	_ =	strace $0x80000048  }
0xb9: {  	_ =	swait.ge [sflag:s29], $0x1  }
0xba: {  	[sflag:s29] =	ssyncadd.s32 $0xFFFFFFFF  }
0xbb: {  	_ =	strace $0x90000048  }
0xbc: {  	_ =	sfence  }
0xbd: {  	s30 =	sld [smem:$0x0];
	_ =	sdelay $0x2  }
0xbe: {  	s31 =	sshll.u32 s1, $0xD;
	s1 =	sshrl.u32 s1, $0x2  }
0xbf: {  	s3 =	sand.u32 $0x4000, s31;
	s1 =	sadd.s32 s1, s30  }
0xc0: {  	s0 =	sor.u32 s3, s0;
	s1 =	sshll.u32 s1, $0x11  }
0xc1: {  	s0 =	sor.u32 s1, s0  }
0xc2: {  	s0 =	sadd.s32 $0x8F2B, s0  }
0xc3: {  	[sflag:s0] =	ssyncadd.remote.s32 $0x1  }
0xc4: {  	_ =	sfence.sel $0xFFFF  }
0xc5: {  	[dreg:$0x0] =	wrdreg $0xFFFFFFFF;
	(pc) =	sbr.abs _section_cstart, $3  }
0xc6: {  	[dreg:$0x1] =	wrdreg $0xFFFFFFFF  }
0xc7: {  	_ =	task.clear_ibuf [dreg:s7], $0x2FFFF;
	_ =	strace $0x9FFFFFFF  }
0xc8: {  	(tm) =	ssettm $0x7FFFFFFF  }
0xc9: {  	_ =	shalt  }
tec
execute0_lowered:
.L_overlay_start_1:
0x0: {  	(tag) =	ssettag $0x1  }
0x1: {  	s1 =	srdreg.scid;
	s0 =	stileid.u32  }
0x2: {  	s11 =	sand.u32 $0x1, s1;
	s28 =	sshll.u32 s0, $0x1  }
0x3: {  	s9 =	rddreg [dreg:$0x0];
	s10 =	sor.u32 s11, s28  }
0x4: {  	s12 =	rddreg [dreg:$0x1];
	s13 =	smul.u32 $0x620, s10  }
0x5: {  	s2 =	simm.s32 $0x0;
	s1 =	rddreg [dreg:$0x2]  }
0x6: {  	[smem:$0x7FF] =	sst s2;
	s3 =	sshrl.u32 s13, $0x3  }
0x7: {  	_ =	strace $0x80000047;
	s4 =	sadd.s32 s12, s3;
	s3 =	simm.s32 $0x2  }
0x8: {  	[tilespmem:s2], [sflag:$0x2] =	stream.linear.gather [hbm4b:s4+s2], $0x310, $0x38;
	[tilespmem:$0x18B80] =	vst v63  }
0x9: {  	_ =	swait.ge [sflag:s3], $0x310  }
0xa: {  	s6 =	simm.s32 $0x310;
	s7 =	simm.s32 $0x380;
	[sflag:s3] =	ssyncset.done $0x0  }
0xb: {  	s8 =	simm.s32 $0x1;
	s5 =	sadd.s32 $0x18BC00, s9;
	[sflag:s3] =	ssyncadd.s32 $0xFFFFFCF0  }
0xc: {  	[tilespmem:s7], [sflag:$0x1] =	stream.indirect.gather [hbm4b:s5+s6], $0x80, s2, s6, $0xb8;
	[tilespmem:$0x18B80] =	vst v63  }
0xd: {  	s10 =	smul.u32 $0x6200, s10;
	_ =	swait.ge [sflag:s8], $0x18800  }
0xe: {  	s14 =	sadd.s32 $0xC7C00, s9;
	[sflag:s8] =	ssyncset.done $0x0  }
0xf: {  	s9 =	sadd.s32 s14, s10;
	[sflag:s8] =	ssyncadd.s32 $0xFFFE7800  }
0x10: {  	[hbm4b:s9+s2] =	stream.linear.scatter [tilespmem:s7], [sflag:$0x2], $0x18800, $0x38;
	[tilespmem:$0x18B80] =	vst v63  }
0x11: {  	s13 =	sadd.s32 $0x310, s13;
	_ =	swait.ge [sflag:s3], $0x18800  }
0x12: {  	s29 =	sshrl.u32 s13, $0x3;
	[sflag:s3] =	ssyncset.done $0x0  }
0x13: {  	s11 =	ssub.s32 $0x2, s11;
	s10 =	sadd.s32 s12, s29;
	[sflag:s3] =	ssyncadd.s32 $0xFFFE7800  }
0x14: {  	[tilespmem:s2], [sflag:$0x2] =	stream.linear.gather [hbm4b:s10+s2], $0x310, $0x38;
	[tilespmem:$0x18B80] =	vst v63  }
0x15: {  	s30 =	sshrl.u32 s11, $0x1;
	_ =	swait.ge [sflag:s3], $0x310  }
0x16: {  	s12 =	ssub.s32 s11, s30;
	[sflag:s3] =	ssyncset.done $0x0  }
0x17: {  	s12 =	smax.u32 s12, $0x1;
	[sflag:s3] =	ssyncadd.s32 $0xFFFFFCF0  }
0x18: {  	[tilespmem:s7], [sflag:$0x1] =	stream.indirect.gather [hbm4b:s5+s6], $0x80, s2, s6, $0xb8;
	[tilespmem:$0x18B80] =	vst v63  }
0x19: {  	p0 =	sne.s32 s12, $0x1;
	_ =	swait.ge [sflag:s8], $0x18800  }
.Ltmp0:
0x1a: {  	s31 =	sshll.u32 s13, $0x4;
	[sflag:s8] =	ssyncset.done $0x0;
	(pc) =	sbr.rel @!p0 .LBB2_2-.Ltmp0, $4  }
0x1b: {  	s11 =	sadd.s32 s14, s31;
	[sflag:s8] =	ssyncadd.s32 $0xFFFE7800  }
0x1c: {  	[hbm4b:s11+s2] =	stream.linear.scatter [tilespmem:s7], [sflag:$0x2], $0x18800, $0x38;
	[tilespmem:$0x18B80] =	vst v63  }
0x1d: {  	_ =	swait.ge [sflag:s3], $0x18800  }
0x1e: {  	s12 =	sadd.s32 $0xFFFFFFFF, s12;
	[sflag:s3] =	ssyncset.done $0x0  }
.LBB2_1:
0x1f: {  	p0 =	sne.s32 s12, $0x1;
	s12 =	sadd.s32 $0xFFFFFFFF, s12;
	[sflag:s3] =	ssyncadd.s32 $0xFFFE7800  }
0x20: {  	[tilespmem:s2], [sflag:$0x2] =	stream.linear.gather [hbm4b:s4+s2], $0x310, $0x38;
	[tilespmem:$0x18B80] =	vst v63  }
0x21: {  	_ =	swait.ge [sflag:s3], $0x310  }
0x22: {  	[sflag:s3] =	ssyncset.done $0x0  }
0x23: {  	[sflag:s3] =	ssyncadd.s32 $0xFFFFFCF0  }
0x24: {  	[tilespmem:s7], [sflag:$0x1] =	stream.indirect.gather [hbm4b:s5+s6], $0x80, s2, s6, $0xb8;
	[tilespmem:$0x18B80] =	vst v63  }
0x25: {  	_ =	swait.ge [sflag:s8], $0x18800  }
0x26: {  	[sflag:s8] =	ssyncset.done $0x0  }
0x27: {  	[sflag:s8] =	ssyncadd.s32 $0xFFFE7800  }
0x28: {  	[hbm4b:s9+s2] =	stream.linear.scatter [tilespmem:s7], [sflag:$0x2], $0x18800, $0x38;
	[tilespmem:$0x18B80] =	vst v63  }
0x29: {  	_ =	swait.ge [sflag:s3], $0x18800  }
0x2a: {  	[sflag:s3] =	ssyncset.done $0x0  }
0x2b: {  	[sflag:s3] =	ssyncadd.s32 $0xFFFE7800  }
0x2c: {  	[tilespmem:s2], [sflag:$0x2] =	stream.linear.gather [hbm4b:s10+s2], $0x310, $0x38;
	[tilespmem:$0x18B80] =	vst v63  }
0x2d: {  	_ =	swait.ge [sflag:s3], $0x310  }
0x2e: {  	[sflag:s3] =	ssyncset.done $0x0  }
0x2f: {  	[sflag:s3] =	ssyncadd.s32 $0xFFFFFCF0  }
0x30: {  	[tilespmem:s7], [sflag:$0x1] =	stream.indirect.gather [hbm4b:s5+s6], $0x80, s2, s6, $0xb8;
	[tilespmem:$0x18B80] =	vst v63  }
0x31: {  	_ =	swait.ge [sflag:s8], $0x18800  }
.Ltmp1:
0x32: {  	[sflag:s8] =	ssyncset.done $0x0;
	(pc) =	sbr.rel @p0 .LBB2_1-.Ltmp1, $4  }
0x33: {  	[sflag:s8] =	ssyncadd.s32 $0xFFFE7800  }
0x34: {  	[hbm4b:s11+s2] =	stream.linear.scatter [tilespmem:s7], [sflag:$0x2], $0x18800, $0x38;
	[tilespmem:$0x18B80] =	vst v63  }
0x35: {  	_ =	swait.ge [sflag:s3], $0x18800  }
0x36: {  	[sflag:s3] =	ssyncset.done $0x0  }
.LBB2_2:
0x37: {  	[sflag:s3] =	ssyncadd.s32 $0xFFFE7800  }
0x38: {  	_ =	sfence.sel $0x180000  }
0x39: {  	[bflag:$0x0] =	sbarrier.arrive $0xFFFF  }
0x3a: {  	p0 =	sne.s32 s0, $0x0;
	_ =	strace $0x90000047  }
0x3b: {  	s0 =	sadd.s32 @!p0 $0x100000, s1;
	[bflag:$0x2] =	sbarrier.arrive $0xFFFF  }
0x3c: {  	[sflag:s0] =	ssyncadd.tile.s32 @!p0 $0x1;
	_ =	shalt  }
.Lfunc_end2:
_tile_overlayer_lowered:
.L_overlay_start_2:
0x3d: {  	(tag) =	ssettag $0x2  }
0x3e: {  	s0 =	rddreg [dreg:$0x0];
	s2 =	stileid.u32  }
0x3f: {  	s1 =	rddreg [dreg:$0x1];
	p0 =	sne.s32 s2, $0x0  }
0x40: {  	s3 =	rddreg [dreg:$0x2];
	[bflag:$0x3] =	sbarrier.arrive $0xFFFF;
	s2 =	simm.s32 @!p0 $0x1C02  }
0x41: {  	[timem:s3], [sflag:s2] =	dma.local @!p0 [hbm:s0], s1  }
0x42: {  	s0 =	simm.s32 @!p0 $0x2  }
0x43: {  	_ =	swait.ge @!p0 [sflag:s0], s1  }
0x44: {  	s1 =	ssub.s32 @!p0 $0x0, s1;
	[sflag:s0] =	ssyncset.done @!p0 $0x0  }
0x45: {  	[sflag:s0] =	ssyncadd.s32 @!p0 s1  }
0x46: {  	[bflag:$0x3] =	sbarrier.arrive $0xFFFF  }
0x47: {  	_ =	shalt  }

// kernel: kernel.9.cloned.1.call-start
scs
__scs_entry_jumppad:
0x0: {  	(pc) =	sbr.rel $0x88, $3  }
0x1: {  	(tag) =	ssettag $0x0;
	lr =	simm.s32 $0x1  }
0x2: {  	[smem:$0x3F9E] =	sst lr;
	_ =	strace $0xD0000000  }
0x3: {  	_ = 	snop  }
0x4: {  	_ = 	snop  }
0x5: {  	_ = 	snop  }
0x6: {  	_ = 	snop  }
0x7: {  	_ = 	snop  }
__scs_overlays_trampoline_lowered:
0x8: {  	[smem:$0x3FAD] =	sst s0  }
0x9: {  	[smem:$0x3FAE] =	sst s1  }
0xa: {  	[smem:$0x3FAF] =	sst s2  }
0xb: {  	[smem:$0x3FB0] =	sst s3  }
0xc: {  	[smem:$0x3FB1] =	sst s4  }
0xd: {  	[smem:$0x3FB2] =	sst s5  }
0xe: {  	[smem:$0x3FB3] =	sst s6  }
0xf: {  	[smem:$0x3FB4] =	sst s7  }
0x10: {  	[smem:$0x3FB5] =	sst s8  }
0x11: {  	[smem:$0x3FB6] =	sst s9;
	s0 =	simm.s32 @!p0 $0x0  }
0x12: {  	s1 =	sld [smem:$0x3F9C];
	s0 =	simm.s32 @p0 $0x1  }
0x13: {  	[smem:$0x3FB7] =	sst s0;
	s0 =	simm.s32 @!p1 $0x0  }
0x14: {  	s2 =	sld [smem:$0x3F9B];
	s0 =	simm.s32 @p1 $0x1  }
0x15: {  	[smem:$0x3FB8] =	sst s0;
	s0 =	simm.s32 @!p2 $0x0  }
0x16: {  	s3 =	sld [smem:$0x3FDB];
	s0 =	simm.s32 @p2 $0x1  }
0x17: {  	s4 =	simm.s32 $0x1BF5;
	[smem:$0x3FBA] =	sst s0  }
0x18: {  	s0 =	sld [smem:$0x3F9D];
	_ =	swait.ge [sflag:s4], $0x0  }
0x19: {  	s7 =	sld [smem:$0x3F9E]  }
0x1a: {  	s8 =	sadd.s32 $0xFFFFE003, lr  }
0x1b: {  	s9 =	sadd.s32 $0xFFFFFEF7, lr;
	s5 =	simm.s32 $0xFFFFFFFF;
	p2 =	slt.u32 s8, $0xFFFFF086  }
0x1c: {  	p1 =	slt.u32 s9, $0xF7A;
	s5 =	simm.s32 @!p2 $0x0  }
0x1d: {  	s5 =	simm.s32 @p1 $0x1;
	p0 =	seq.s32 s7, s2  }
0x1e: {  	s7 =	smul.u32 @!p0 $0xF7A, s2;
	p2 =	seq.s32 @!p0 s5, $0x0  }
0x1f: {  	s9 =	smul.u32 $0xF7A, s1;
	s8 =	simm.s32 @!p0 $0x1BF5;
	p2 =	por !p2, p0  }
0x20: {  	[sflag:s8] =	ssyncset.s32 @!p0 $0xFFFFF086;
	s6 =	sadd.s32 @!p0 s3, s7;
	s7 =	simm.s32 @!p0 $0x108  }
0x21: {  	s3 =	sadd.s32 s3, s9;
	s6 =	sadd.s32 @!p0 $0x88, s6;
	s7 =	simm.s32 @p2 $0x1082  }
0x22: {  	[simem:s7], [sflag:s8] =	dma.local @!p0 [hbm:s6], $0xF7A  }
0x23: {  	s9 =	sor.u32 $0xD0000000, s2;
	s6 =	simm.s32 $0x108;
	_ =	swait.ge @!p0 [sflag:s8], $0x0  }
0x24: {  	s3 =	sadd.s32 $0x88, s3;
	s6 =	simm.s32 @!p1 $0x1082;
	[sflag:s4] =	ssyncset.s32 $0xFFFFF086  }
0x25: {  	[simem:s6], [sflag:s4] =	dma.local [hbm:s3], $0xF7A  }
0x26: {  	[smem:$0x3F9E] =	sst s1;
	(tag) =	ssettag s2;
	_ =	strace s9  }
0x27: {  	s1 =	sld [smem:$0x3FAE]  }
0x28: {  	s2 =	sld [smem:$0x3FAF]  }
0x29: {  	s4 =	sld [smem:$0x3FB1]  }
0x2a: {  	p0 =	seq.s32 s5, $0x0;
	s5 =	sld [smem:$0x3FB2]  }
0x2b: {  	s6 =	sld [smem:$0x3FB3]  }
0x2c: {  	s7 =	sld [smem:$0x3FB4]  }
0x2d: {  	s3 =	simm.s32 $0x108;
	s8 =	sld [smem:$0x3FB5]  }
0x2e: {  	s3 =	simm.s32 @!p0 $0x1082;
	s9 =	sld [smem:$0x3FB6]  }
0x2f: {  	lr =	sadd.s32 s0, s3;
	s0 =	sld [smem:$0x3FAD]  }
0x30: {  	s3 =	sld [smem:$0x3FB0]  }
0x31: {  	[smem:$0x3FB9] =	sst s10  }
0x32: {  	s10 =	sld [smem:$0x3FB7];
	_ =	sdelay $0x3  }
0x33: {  	p0 =	seq.s32 s10, $0x1;
	s10 =	sld [smem:$0x3FB9];
	_ =	sdelay $0x3  }
0x34: {  	[smem:$0x3FB9] =	sst s10  }
0x35: {  	s10 =	sld [smem:$0x3FB8];
	_ =	sdelay $0x3  }
0x36: {  	p1 =	seq.s32 s10, $0x1;
	s10 =	sld [smem:$0x3FB9];
	_ =	sdelay $0x3  }
0x37: {  	[smem:$0x3FB9] =	sst s10  }
0x38: {  	s10 =	sld [smem:$0x3FBA]  }
0x39: {  	_ = 	snop;
	(pc) =	sbr.ind lr, $3  }
0x3a: {  	_ = 	snop  }
0x3b: {  	_ = 	snop  }
0x3c: {  	p2 =	seq.s32 s10, $0x1;
	s10 =	sld [smem:$0x3FB9]  }
0x3d: {  	_ =	shalt  }
0x3e: {  	_ =	shalt  }
0x3f: {  	_ =	shalt  }
0x40: {  	_ =	shalt  }
0x41: {  	_ =	shalt  }
0x42: {  	_ =	shalt  }
0x43: {  	_ =	shalt  }
0x44: {  	_ =	shalt  }
0x45: {  	_ =	shalt  }
0x46: {  	_ =	shalt  }
0x47: {  	_ =	shalt  }
0x48: {  	_ =	shalt  }
0x49: {  	_ =	shalt  }
0x4a: {  	_ =	shalt  }
0x4b: {  	_ =	shalt  }
0x4c: {  	_ =	shalt  }
0x4d: {  	_ =	shalt  }
0x4e: {  	_ =	shalt  }
0x4f: {  	_ =	shalt  }
0x50: {  	_ =	shalt  }
0x51: {  	_ =	shalt  }
0x52: {  	_ =	shalt  }
0x53: {  	_ =	shalt  }
0x54: {  	_ =	shalt  }
0x55: {  	_ =	shalt  }
0x56: {  	_ =	shalt  }
0x57: {  	_ =	shalt  }
0x58: {  	_ =	shalt  }
0x59: {  	_ =	shalt  }
0x5a: {  	_ =	shalt  }
0x5b: {  	_ =	shalt  }
0x5c: {  	_ =	shalt  }
0x5d: {  	_ =	shalt  }
0x5e: {  	_ =	shalt  }
0x5f: {  	_ =	shalt  }
0x60: {  	_ =	shalt  }
0x61: {  	_ =	shalt  }
0x62: {  	_ =	shalt  }
0x63: {  	_ =	shalt  }
0x64: {  	_ =	shalt  }
0x65: {  	_ =	shalt  }
0x66: {  	_ =	shalt  }
0x67: {  	_ =	shalt  }
0x68: {  	_ =	shalt  }
0x69: {  	_ =	shalt  }
0x6a: {  	_ =	shalt  }
0x6b: {  	_ =	shalt  }
0x6c: {  	_ =	shalt  }
0x6d: {  	_ =	shalt  }
0x6e: {  	_ =	shalt  }
0x6f: {  	_ =	shalt  }
0x70: {  	_ =	shalt  }
0x71: {  	_ =	shalt  }
0x72: {  	_ =	shalt  }
0x73: {  	_ =	shalt  }
0x74: {  	_ =	shalt  }
0x75: {  	_ =	shalt  }
0x76: {  	_ =	shalt  }
0x77: {  	_ =	shalt  }
0x78: {  	_ =	shalt  }
0x79: {  	_ =	shalt  }
0x7a: {  	_ =	shalt  }
0x7b: {  	_ =	shalt  }
0x7c: {  	_ =	shalt  }
0x7d: {  	_ =	shalt  }
0x7e: {  	_ =	shalt  }
0x7f: {  	_ =	shalt  }
0x80: {  	_ =	shalt  }
0x81: {  	_ =	shalt  }
0x82: {  	_ =	shalt  }
0x83: {  	_ =	shalt  }
0x84: {  	_ =	shalt  }
0x85: {  	_ =	shalt  }
0x86: {  	_ =	shalt  }
0x87: {  	_ =	shalt  }
.Lfunc_end0:
.L_simem_size_0:
called_computation.1_lowered:
.L_overlay_start_0:
0x88: {  	s2 =	sld [smem:$0x3FD9]  }
0x89: {  	s3 =	sld [smem:$0x3FFE];
	_ =	sdelay $0x1  }
0x8a: {  	s1 =	srdreg.scid  }
0x8b: {  	s0 =	sand.u32 $0x1, s1  }
0x8c: {  	s14 =	sshll.u32 s0, $0xA;
	s2 =	sadd.s32 s3, s2  }
0x8d: {  	s2 =	sadd.s32 s2, s14  }
0x8e: {  	[smem:$0x3FC5] =	sst s2  }
0x8f: {  	_ = 	snop  }
0x90: {  	s2 =	sld [smem:$0x3FD0];
	_ =	sdelay $0x2  }
0x91: {  	s15 =	simm.s32 $0xA;
	s4 =	simm.s32 $0x10  }
0x92: {  	[smem:s4], [sflag:s15] =	dma.local [hbm:s2], $0x1  }
0x93: {  	_ =	swait.eq [sflag:s15], $0x1  }
0x94: {  	[sflag:s15] =	ssyncset.done $0x0  }
0x95: {  	[sflag:s15] =	ssyncadd.s32 $0xFFFFFFFF  }
0x96: {  	s16 =	sld [smem:$0x10];
	(tm) =	ssettm $0x1  }
0x97: {  	s17 =	sld [smem:$0x3FFB];
	_ =	sdelay $0x3  }
0x98: {  	_ =	strace s17  }
0x99: {  	s3 =	sld [smem:$0x3FFC];
	_ =	sdelay $0x3  }
0x9a: {  	_ =	strace s3  }
0x9b: {  	s3 =	sld [smem:$0x3FFD];
	_ =	sdelay $0x3  }
0x9c: {  	_ =	strace s3  }
0x9d: {  	_ =	strace $0x8FFFFFFF  }
0x9e: {  	s18 =	sld [smem:$0x3FDB];
	_ =	sdelay $0x1  }
0x9f: {  	s19 =	simm.s32 $_scs_section_size  }
0xa0: {  	s5 =	simm.s32 $_size__tile_overlayer_lowered;
	s6 =	simm.s32 $_tile_overlayer_lowered  }
0xa1: {  	s22 =	simm.s32 $0x1BFF;
	s21 =	sshll.u32 s6, $0x1;
	s3 =	sadd.s32 s19, s18  }
0xa2: {  	s7 =	simm.s32 $0x0;
	s20 =	sshll.u32 s5, $0x1;
	s5 =	sadd.s32 s21, s3  }
0xa3: {  	[timem:s7], [sflag:s22] =	dma.local [hbm:s5], s20  }
0xa4: {  	_ =	swait.ge [sflag:s22], s20  }
0xa5: {  	s4 =	ssub.s32 $0x0, s20;
	[sflag:s22] =	ssyncset.done $0x0  }
0xa6: {  	[sflag:s22] =	ssyncadd.s32 s4;
	_ =	sdelay $0x1  }
0xa7: {  	s23 =	simm.s32 $0x1B8B  }
0xa8: {  	_ =	swait.ge [sflag:s23], $0x1  }
0xa9: {  	[sflag:s23] =	ssyncset.done $0x0  }
0xaa: {  	s25 =	simm.s32 $0x1B8E;
	s24 =	sld [smem:$0x3FFE];
	[sflag:s23] =	ssyncadd.s32 $0xFFFFFFFF  }
0xab: {  	s26 =	simm.s32 $execute0_lowered;
	[smem:$0x3FD2] =	sst s25  }
0xac: {  	s5 =	sshll.u32 s26, $0x1;
	_ =	strace $0x80000049;
	[dreg:$0x1] =	wrdreg $0xFFFFFFFF  }
0xad: {  	s28 =	simm.s32 $_size_execute0_lowered;
	s3 =	sadd.s32 s3, s5;
	[dreg:$0x0] =	wrdreg $0x0  }
0xae: {  	s5 =	sshll.u32 s28, $0x1;
	[dreg:$0x2] =	wrdreg s3  }
0xaf: {  	[dreg:$0x3] =	wrdreg s5  }
0xb0: {  	[dreg:$0x4] =	wrdreg $0xC0  }
0xb1: {  	_ =	task [dreg:s7], $0x5FFFF  }
0xb2: {  	[dreg:$0x1] =	wrdreg $0xFFFFFFFF  }
0xb3: {  	[dreg:$0x0] =	wrdreg $0x60  }
0xb4: {  	[dreg:$0x2] =	wrdreg s16  }
0xb5: {  	[dreg:$0x3] =	wrdreg s24  }
0xb6: {  	[dreg:$0x4] =	wrdreg $0x9  }
0xb7: {  	_ =	task.clear_ibuf [dreg:s7], $0x5FFFF;
	_ =	strace $0x90000049  }
0xb8: {  	s29 =	simm.s32 $0x9;
	_ =	strace $0x8000004B  }
0xb9: {  	_ =	swait.ge [sflag:s29], $0x1  }
0xba: {  	[sflag:s29] =	ssyncadd.s32 $0xFFFFFFFF  }
0xbb: {  	_ =	strace $0x9000004B  }
0xbc: {  	_ =	sfence  }
0xbd: {  	s30 =	sld [smem:$0x0];
	_ =	sdelay $0x2  }
0xbe: {  	s31 =	sshll.u32 s1, $0xD;
	s1 =	sshrl.u32 s1, $0x2  }
0xbf: {  	s3 =	sand.u32 $0x4000, s31;
	s1 =	sadd.s32 s1, s30  }
0xc0: {  	s0 =	sor.u32 s3, s0;
	s1 =	sshll.u32 s1, $0x11  }
0xc1: {  	s0 =	sor.u32 s1, s0  }
0xc2: {  	s0 =	sadd.s32 $0x8F2B, s0  }
0xc3: {  	[sflag:s0] =	ssyncadd.remote.s32 $0x1  }
0xc4: {  	_ =	sfence.sel $0xFFFF  }
0xc5: {  	[dreg:$0x0] =	wrdreg $0xFFFFFFFF;
	(pc) =	sbr.abs _section_cstart, $3  }
0xc6: {  	[dreg:$0x1] =	wrdreg $0xFFFFFFFF  }
0xc7: {  	_ =	task.clear_ibuf [dreg:s7], $0x2FFFF;
	_ =	strace $0x9FFFFFFF  }
0xc8: {  	(tm) =	ssettm $0x7FFFFFFF  }
0xc9: {  	_ =	shalt  }
tec
execute0_lowered:
.L_overlay_start_1:
0x0: {  	(tag) =	ssettag $0x1  }
0x1: {  	s1 =	srdreg.scid;
	s0 =	stileid.u32  }
0x2: {  	s11 =	sand.u32 $0x1, s1;
	s26 =	sshll.u32 s0, $0x1  }
0x3: {  	s2 =	rddreg [dreg:$0x0];
	s9 =	sor.u32 s11, s26  }
0x4: {  	s10 =	rddreg [dreg:$0x1];
	s12 =	smul.u32 $0x620, s9  }
0x5: {  	s3 =	simm.s32 $0x0;
	s1 =	rddreg [dreg:$0x2]  }
0x6: {  	[smem:$0x7FF] =	sst s3;
	s13 =	sadd.s32 $0x3C00, s10;
	s4 =	sshrl.u32 s12, $0x3  }
0x7: {  	_ =	strace $0x8000004A;
	s5 =	sadd.s32 s13, s4;
	s4 =	simm.s32 $0x2  }
0x8: {  	[tilespmem:s3], [sflag:$0x2] =	stream.linear.gather [hbm4b:s5+s3], $0x310, $0x38;
	[tilespmem:$0x18B80] =	vst v63  }
0x9: {  	_ =	swait.ge [sflag:s4], $0x310  }
0xa: {  	s6 =	simm.s32 $0x310;
	[sflag:s4] =	ssyncset.done $0x0  }
0xb: {  	s7 =	simm.s32 $0x380;
	s8 =	simm.s32 $0x1;
	[sflag:s4] =	ssyncadd.s32 $0xFFFFFCF0  }
0xc: {  	[tilespmem:s7], [sflag:$0x1] =	stream.indirect.gather [hbm4b:s2+s6], $0x80, s3, s6, $0xb8;
	[tilespmem:$0x18B80] =	vst v63  }
0xd: {  	s9 =	smul.u32 $0x6200, s9;
	_ =	swait.ge [sflag:s8], $0x18800  }
0xe: {  	s14 =	sadd.s32 $0x18BC00, s10;
	[sflag:s8] =	ssyncset.done $0x0  }
0xf: {  	s9 =	sadd.s32 s14, s9;
	[sflag:s8] =	ssyncadd.s32 $0xFFFE7800  }
0x10: {  	[hbm4b:s9+s3] =	stream.linear.scatter [tilespmem:s7], [sflag:$0x2], $0x18800, $0x38;
	[tilespmem:$0x18B80] =	vst v63  }
0x11: {  	s12 =	sadd.s32 $0x310, s12;
	_ =	swait.ge [sflag:s4], $0x18800  }
0x12: {  	s28 =	sshrl.u32 s12, $0x3;
	[sflag:s4] =	ssyncset.done $0x0  }
0x13: {  	s11 =	ssub.s32 $0x2, s11;
	s10 =	sadd.s32 s13, s28;
	[sflag:s4] =	ssyncadd.s32 $0xFFFE7800  }
0x14: {  	[tilespmem:s3], [sflag:$0x2] =	stream.linear.gather [hbm4b:s10+s3], $0x310, $0x38;
	[tilespmem:$0x18B80] =	vst v63  }
0x15: {  	s29 =	sshrl.u32 s11, $0x1;
	_ =	swait.ge [sflag:s4], $0x310  }
0x16: {  	s13 =	ssub.s32 s11, s29;
	[sflag:s4] =	ssyncset.done $0x0  }
0x17: {  	s31 =	smax.u32 s13, $0x1;
	[sflag:s4] =	ssyncadd.s32 $0xFFFFFCF0  }
0x18: {  	[tilespmem:s7], [sflag:$0x1] =	stream.indirect.gather [hbm4b:s2+s6], $0x80, s3, s6, $0xb8;
	[tilespmem:$0x18B80] =	vst v63  }
0x19: {  	p0 =	sne.s32 s31, $0x1;
	_ =	swait.ge [sflag:s8], $0x18800  }
.Ltmp0:
0x1a: {  	s30 =	sshll.u32 s12, $0x4;
	[sflag:s8] =	ssyncset.done $0x0;
	(pc) =	sbr.rel @!p0 .LBB2_2-.Ltmp0, $4  }
0x1b: {  	s11 =	sadd.s32 s14, s30;
	[sflag:s8] =	ssyncadd.s32 $0xFFFE7800  }
0x1c: {  	[hbm4b:s11+s3] =	stream.linear.scatter [tilespmem:s7], [sflag:$0x2], $0x18800, $0x38;
	[tilespmem:$0x18B80] =	vst v63  }
0x1d: {  	_ =	swait.ge [sflag:s4], $0x18800  }
0x1e: {  	s12 =	sadd.s32 $0xFFFFFFFF, s31;
	[sflag:s4] =	ssyncset.done $0x0  }
.LBB2_1:
0x1f: {  	p0 =	sne.s32 s12, $0x1;
	s12 =	sadd.s32 $0xFFFFFFFF, s12;
	[sflag:s4] =	ssyncadd.s32 $0xFFFE7800  }
0x20: {  	[tilespmem:s3], [sflag:$0x2] =	stream.linear.gather [hbm4b:s5+s3], $0x310, $0x38;
	[tilespmem:$0x18B80] =	vst v63  }
0x21: {  	_ =	swait.ge [sflag:s4], $0x310  }
0x22: {  	[sflag:s4] =	ssyncset.done $0x0  }
0x23: {  	[sflag:s4] =	ssyncadd.s32 $0xFFFFFCF0  }
0x24: {  	[tilespmem:s7], [sflag:$0x1] =	stream.indirect.gather [hbm4b:s2+s6], $0x80, s3, s6, $0xb8;
	[tilespmem:$0x18B80] =	vst v63  }
0x25: {  	_ =	swait.ge [sflag:s8], $0x18800  }
0x26: {  	[sflag:s8] =	ssyncset.done $0x0  }
0x27: {  	[sflag:s8] =	ssyncadd.s32 $0xFFFE7800  }
0x28: {  	[hbm4b:s9+s3] =	stream.linear.scatter [tilespmem:s7], [sflag:$0x2], $0x18800, $0x38;
	[tilespmem:$0x18B80] =	vst v63  }
0x29: {  	_ =	swait.ge [sflag:s4], $0x18800  }
0x2a: {  	[sflag:s4] =	ssyncset.done $0x0  }
0x2b: {  	[sflag:s4] =	ssyncadd.s32 $0xFFFE7800  }
0x2c: {  	[tilespmem:s3], [sflag:$0x2] =	stream.linear.gather [hbm4b:s10+s3], $0x310, $0x38;
	[tilespmem:$0x18B80] =	vst v63  }
0x2d: {  	_ =	swait.ge [sflag:s4], $0x310  }
0x2e: {  	[sflag:s4] =	ssyncset.done $0x0  }
0x2f: {  	[sflag:s4] =	ssyncadd.s32 $0xFFFFFCF0  }
0x30: {  	[tilespmem:s7], [sflag:$0x1] =	stream.indirect.gather [hbm4b:s2+s6], $0x80, s3, s6, $0xb8;
	[tilespmem:$0x18B80] =	vst v63  }
0x31: {  	_ =	swait.ge [sflag:s8], $0x18800  }
.Ltmp1:
0x32: {  	[sflag:s8] =	ssyncset.done $0x0;
	(pc) =	sbr.rel @p0 .LBB2_1-.Ltmp1, $4  }
0x33: {  	[sflag:s8] =	ssyncadd.s32 $0xFFFE7800  }
0x34: {  	[hbm4b:s11+s3] =	stream.linear.scatter [tilespmem:s7], [sflag:$0x2], $0x18800, $0x38;
	[tilespmem:$0x18B80] =	vst v63  }
0x35: {  	_ =	swait.ge [sflag:s4], $0x18800  }
0x36: {  	[sflag:s4] =	ssyncset.done $0x0  }
.LBB2_2:
0x37: {  	[sflag:s4] =	ssyncadd.s32 $0xFFFE7800  }
0x38: {  	_ =	sfence.sel $0x180000  }
0x39: {  	[bflag:$0x0] =	sbarrier.arrive $0xFFFF  }
0x3a: {  	p0 =	sne.s32 s0, $0x0;
	_ =	strace $0x9000004A  }
0x3b: {  	s0 =	sadd.s32 @!p0 $0x100000, s1;
	[bflag:$0x2] =	sbarrier.arrive $0xFFFF  }
0x3c: {  	[sflag:s0] =	ssyncadd.tile.s32 @!p0 $0x1;
	_ =	shalt  }
.Lfunc_end2:
_tile_overlayer_lowered:
.L_overlay_start_2:
0x3d: {  	(tag) =	ssettag $0x2  }
0x3e: {  	s0 =	rddreg [dreg:$0x0];
	s2 =	stileid.u32  }
0x3f: {  	s1 =	rddreg [dreg:$0x1];
	p0 =	sne.s32 s2, $0x0  }
0x40: {  	s3 =	rddreg [dreg:$0x2];
	[bflag:$0x3] =	sbarrier.arrive $0xFFFF;
	s2 =	simm.s32 @!p0 $0x1C02  }
0x41: {  	[timem:s3], [sflag:s2] =	dma.local @!p0 [hbm:s0], s1  }
0x42: {  	s0 =	simm.s32 @!p0 $0x2  }
0x43: {  	_ =	swait.ge @!p0 [sflag:s0], s1  }
0x44: {  	s1 =	ssub.s32 @!p0 $0x0, s1;
	[sflag:s0] =	ssyncset.done @!p0 $0x0  }
0x45: {  	[sflag:s0] =	ssyncadd.s32 @!p0 s1  }
0x46: {  	[bflag:$0x3] =	sbarrier.arrive $0xFFFF  }
0x47: {  	_ =	shalt  }

</sc_bundles>
